<compile_context>
chip_gen: v7x
topology: tpu7x:2x2x1
jax: 0.10.2.dev20260603
libtpu: 0.0.44.dev20260713+nightly
codegen_flags: <defaults>
</compile_context>

<pallas_src>
import functools
import math

import jax
import jax.numpy as jnp
import numpy as np
from jax import lax
from jax.experimental import pallas as pl
from jax.experimental.pallas import tpu as pltpu
from jax.experimental.pallas import tpu_sc as plsc

ED = 64
CAT = 512
TIME_START, TIME_STEPS = 512, 1000
NOTE_START, NOTE_RANGE = 1512, 128
VEL_START, VEL_BINS = 1640, 128
DUR_START, DUR_STEPS = 1768, 1000
VOCAB = 2768


def _pitch_block() -> np.ndarray:
    p = np.arange(NOTE_RANGE, dtype=np.float64)
    octave = np.floor(p / 12.0)
    semitone = np.mod(p, 12.0)
    i = np.arange(ED // 4, dtype=np.float64)
    div = 2.0 ** i
    s1 = np.sin(octave[:, None] / div)
    c1 = np.cos(octave[:, None] / div)
    s2 = np.sin(semitone[:, None] * (math.pi / 6.0) * (i + 1.0))
    c2 = np.cos(semitone[:, None] * (math.pi / 6.0) * (i + 1.0))
    return np.stack([s1, c1, s2, c2], axis=-1).reshape(NOTE_RANGE, ED).astype(np.float32)


_PITCH = _pitch_block()


def _build_body(table_ref, ts_a_ref, ts_b_ref, dur_a_ref, dur_b_ref,
                vel_w1_ref, vel_b1_ref, vel_w2_ref, vel_b2_ref,
                vel_g_ref, vel_bt_ref, pitch_ref, out_ref):
    out_ref[0:CAT, :] = table_ref[:, :]

    lane_is_lin = lax.broadcasted_iota(jnp.int32, (1, ED), 1) < (ED // 2)

    def tv(nsteps, a_ref, b_ref):
        t = lax.broadcasted_iota(jnp.int32, (nsteps, 1), 0).astype(jnp.float32) / float(nsteps)
        z = t * a_ref[:, :] + b_ref[:, :]
        return jnp.where(lane_is_lin, z, jnp.sin(z))

    out_ref[TIME_START:TIME_START + TIME_STEPS, :] = tv(TIME_STEPS, ts_a_ref, ts_b_ref)
    out_ref[DUR_START:DUR_START + DUR_STEPS, :] = tv(DUR_STEPS, dur_a_ref, dur_b_ref)

    out_ref[NOTE_START:NOTE_START + NOTE_RANGE, :] = pitch_ref[:, :]

    v = lax.broadcasted_iota(jnp.int32, (VEL_BINS, 1), 0).astype(jnp.float32) / float(VEL_BINS)
    h = v * vel_w1_ref[:, :] + vel_b1_ref[:, :]
    h = 0.5 * h * (1.0 + lax.erf(h * (1.0 / math.sqrt(2.0))))
    o = jnp.dot(h, vel_w2_ref[:, :], preferred_element_type=jnp.float32) + vel_b2_ref[:, :]
    mu = jnp.mean(o, axis=-1, keepdims=True)
    var = jnp.mean((o - mu) ** 2, axis=-1, keepdims=True)
    o = (o - mu) / jnp.sqrt(var + 1e-5) * vel_g_ref[:, :] + vel_bt_ref[:, :]
    out_ref[VEL_START:VEL_START + VEL_BINS, :] = o


_build_table = pl.pallas_call(
    _build_body,
    out_shape=jax.ShapeDtypeStruct((VOCAB, ED), jnp.float32),
)


NC, NS = 2, 16
NW = NC * NS
SEQ, TOK = 1024, 200
B_TOK = SEQ * TOK
BPW = B_TOK // NW
CH = 800
NCH = BPW // CH


@functools.cache
def _make_gather():
    mesh = plsc.VectorSubcoreMesh(core_axis_name="c", subcore_axis_name="s")

    @functools.partial(
        pl.kernel,
        mesh=mesh,
        compiler_params=pltpu.CompilerParams(use_tc_tiling_on_sc=False),
        out_type=jax.ShapeDtypeStruct((B_TOK, 2 * ED), jnp.float32),
        scratch_types=[
            pltpu.VMEM((BPW,), jnp.int32),
            pltpu.VMEM((CH, ED), jnp.float32),
            pltpu.VMEM((CH, ED), jnp.float32),
            pltpu.SemaphoreType.DMA,
            pltpu.SemaphoreType.DMA,
            pltpu.SemaphoreType.DMA,
            pltpu.SemaphoreType.DMA,
        ],
    )
    def _gather_rows(table_hbm, idx_hbm, out_hbm, idx_v, buf0, buf1,
                     gsem0, gsem1, wsem0, wsem1):
        wid = lax.axis_index("s") * NC + lax.axis_index("c")
        base = wid * BPW
        pltpu.sync_copy(idx_hbm.at[pl.ds(base, BPW)], idx_v)

        bufs = (buf0, buf1)
        gsems = (gsem0, gsem1)
        wsems = (wsem0, wsem1)

        def start_gather(c, b):
            return pltpu.async_copy(
                table_hbm.at[idx_v.at[pl.ds(c * CH, CH)]], bufs[b], gsems[b])

        gathers = [start_gather(0, 0), start_gather(1, 1)]
        writes = [None, None]
        for c in range(NCH):
            b = c % 2
            gathers[b].wait()
            writes[b] = pltpu.async_copy(
                bufs[b], out_hbm.at[pl.ds(base + c * CH, CH), pl.ds(0, ED)],
                wsems[b])
            if c + 2 < NCH:
                writes[b].wait()
                gathers[b] = start_gather(c + 2, b)
        for c in range(NCH - 2, NCH):
            writes[c % 2].wait()

    return _gather_rows



def kernel(tokens, table, ts_Wl, ts_bl, ts_w, ts_bp, vel_W1, vel_b1, vel_W2,
           vel_b2, vel_gamma, vel_beta, dur_Wl, dur_bl, dur_w, dur_bp):
    ts_a = jnp.concatenate([ts_Wl, ts_w]).reshape(1, ED)
    ts_b = jnp.concatenate([ts_bl, ts_bp]).reshape(1, ED)
    dur_a = jnp.concatenate([dur_Wl, dur_w]).reshape(1, ED)
    dur_b = jnp.concatenate([dur_bl, dur_bp]).reshape(1, ED)
    big = _build_table(
        table, ts_a, ts_b, dur_a, dur_b,
        vel_W1.reshape(1, ED // 2), vel_b1.reshape(1, ED // 2),
        vel_W2, vel_b2.reshape(1, ED),
        vel_gamma.reshape(1, ED), vel_beta.reshape(1, ED),
        jnp.asarray(_PITCH),
    )
    idx = tokens.reshape(-1).astype(jnp.int32)
    rows = _make_gather()(big, idx)
    return rows[:, :ED].reshape(SEQ, TOK, ED)

# --- scband reference (transcript-rebuilt; emitter-appended) ---
"""Pipeline reference for scband-music-hybrid-embedding-56676388438137 (READ-ONLY COPY).

The authoritative reference and input builder live on the scoring server;
editing this copy changes nothing except your own understanding.
"""

import jax, jax.numpy as jnp
import numpy as np
import math

ED = 64
CAT = 512
TIME_START, TIME_STEPS = 512, 1000
NOTE_START, NOTE_RANGE = 1512, 128
VEL_START, VEL_BINS = 1640, 128
DUR_START, DUR_STEPS = 1768, 1000
VOCAB = 2768


def time2vec(t_int, Wl, bl, w, bp, max_steps):
    t = t_int.astype(jnp.float32)[..., None] / float(max_steps)
    lin = t * Wl + bl
    per = jnp.sin(t * w + bp)
    return jnp.concatenate([lin, per], axis=-1)


def pitch_embed(p_int):
    p = p_int.astype(jnp.float32)
    octave = jnp.floor(p / 12.0)
    semitone = jnp.mod(p, 12.0)
    i = jnp.arange(ED // 4, dtype=jnp.float32)
    div = 2.0 ** i
    s1 = jnp.sin(octave[..., None] / div)
    c1 = jnp.cos(octave[..., None] / div)
    s2 = jnp.sin(semitone[..., None] * (math.pi / 6.0) * (i + 1.0))
    c2 = jnp.cos(semitone[..., None] * (math.pi / 6.0) * (i + 1.0))
    return jnp.stack([s1, c1, s2, c2], axis=-1).reshape(p.shape + (ED,))


def vel_embed(v_int, W1, b1, W2, b2, gamma, beta):
    v = (v_int.astype(jnp.float32) / float(VEL_BINS))[..., None]
    h = jax.nn.gelu(v * W1 + b1, approximate=False)
    out = h @ W2 + b2
    mu = out.mean(-1, keepdims=True)
    var = ((out - mu) ** 2).mean(-1, keepdims=True)
    return (out - mu) / jnp.sqrt(var + 1e-5) * gamma + beta


def setup_inputs(seed: int = 0):
    key = jax.random.key(seed)
    ks = jax.random.split(key, 16)
    tokens = jax.random.randint(ks[0], (1024, 200), 0, VOCAB, dtype=jnp.int64) if jax.config.read('jax_enable_x64') else jax.random.randint(ks[0], (1024, 200), 0, VOCAB, dtype=jnp.int32)
    table = jax.random.normal(ks[1], (CAT, ED), dtype=jnp.float32)
    table = table.at[0].set(0.0)  # padding_idx=0
    inp = {
        'tokens': tokens,
        'table': table,
        'ts_Wl': jax.random.normal(ks[2], (ED // 2,), dtype=jnp.float32) * 0.5,
        'ts_bl': jax.random.normal(ks[3], (ED // 2,), dtype=jnp.float32) * 0.1,
        'ts_w': jax.random.normal(ks[4], (ED // 2,), dtype=jnp.float32),
        'ts_bp': jax.random.normal(ks[5], (ED // 2,), dtype=jnp.float32),
        'vel_W1': jax.random.normal(ks[6], (ED // 2,), dtype=jnp.float32) * 0.5,
        'vel_b1': jax.random.normal(ks[7], (ED // 2,), dtype=jnp.float32) * 0.1,
        'vel_W2': jax.random.normal(ks[8], (ED // 2, ED), dtype=jnp.float32) * (1.0 / math.sqrt(ED // 2)),
        'vel_b2': jax.random.normal(ks[9], (ED,), dtype=jnp.float32) * 0.1,
        'vel_gamma': jnp.ones((ED,), dtype=jnp.float32),
        'vel_beta': jnp.zeros((ED,), dtype=jnp.float32),
        'dur_Wl': jax.random.normal(ks[10], (ED // 2,), dtype=jnp.float32) * 0.5,
        'dur_bl': jax.random.normal(ks[11], (ED // 2,), dtype=jnp.float32) * 0.1,
        'dur_w': jax.random.normal(ks[12], (ED // 2,), dtype=jnp.float32),
        'dur_bp': jax.random.normal(ks[13], (ED // 2,), dtype=jnp.float32),
    }
    return inp


def reference(tokens, table, ts_Wl, ts_bl, ts_w, ts_bp, vel_W1, vel_b1, vel_W2, vel_b2, vel_gamma, vel_beta, dur_Wl, dur_bl, dur_w, dur_bp):
    # categorical embedding (reorder_specialized_tokens=True path)
    cat_mask = tokens < CAT
    emb = jnp.take(table, jnp.clip(tokens, 0, CAT - 1), axis=0)
    emb = jnp.where(cat_mask[..., None], emb, 0.0)
    # time-shift range
    time_mask = (tokens >= TIME_START) & (tokens < TIME_START + TIME_STEPS)
    tv = time2vec(tokens - TIME_START, ts_Wl, ts_bl, ts_w, ts_bp, TIME_STEPS)
    emb = jnp.where(time_mask[..., None], tv, emb)
    # note (pitch) range
    note_mask = (tokens >= NOTE_START) & (tokens < NOTE_START + NOTE_RANGE)
    pv = pitch_embed(tokens - NOTE_START)
    emb = jnp.where(note_mask[..., None], pv, emb)
    # velocity range
    vel_mask = (tokens >= VEL_START) & (tokens < VEL_START + VEL_BINS)
    vv = vel_embed(tokens - VEL_START, vel_W1, vel_b1, vel_W2, vel_b2, vel_gamma, vel_beta)
    emb = jnp.where(vel_mask[..., None], vv, emb)
    # duration range
    dur_mask = (tokens >= DUR_START) & (tokens < DUR_START + DUR_STEPS)
    dv = time2vec(tokens - DUR_START, dur_Wl, dur_bl, dur_w, dur_bp, DUR_STEPS)
    emb = jnp.where(dur_mask[..., None], dv, emb)
    return emb

if __name__ == "__main__":
    import jax
    _d = setup_inputs()
    print(jax.jit(kernel)(*tuple(_d.values())))

</pallas_src>

<mosaic_0001>
#map = affine_map<(d0, d1) -> (0, 0)>
#map1 = affine_map<(d0, d1) -> (0)>
module attributes {stable_mosaic.version = 14 : i64} {
  func.func @_gather_rows(%arg0: i32, %arg1: i32, %arg2: memref<2768x64xf32, #tpu.memory_space<hbm>>, %arg3: memref<204800xi32, #tpu.memory_space<hbm>>, %arg4: memref<204800x128xf32, #tpu.memory_space<hbm>>, %arg5: memref<6400xi32, #tpu.memory_space<vmem>>, %arg6: memref<800x64xf32, #tpu.memory_space<vmem>>, %arg7: memref<800x64xf32, #tpu.memory_space<vmem>>, %arg8: memref<!tpu.dma_semaphore, #tpu.memory_space<semaphore_mem>>, %arg9: memref<!tpu.dma_semaphore, #tpu.memory_space<semaphore_mem>>, %arg10: memref<!tpu.dma_semaphore, #tpu.memory_space<semaphore_mem>>, %arg11: memref<!tpu.dma_semaphore, #tpu.memory_space<semaphore_mem>>) attributes {dimension_semantics = [#tpu.dimension_semantics<core_parallel>, #tpu.dimension_semantics<subcore_parallel>], iteration_bounds = array<i64: 2, 16>, scalar_prefetch = 0 : i64, scratch_operands = 7 : i64, tpu.core_type = #tpu.core_type<sc_vector_subcore>, window_params = [{transform_indices = #map}, {transform_indices = #map1}, {transform_indices = #map}]} {
    %mul3A = arith.constant 2 : i32
    %mul3A_0 = arith.muli %arg1, %mul3A : i32
    %add3A = arith.addi %mul3A_0, %arg0 : i32
    %mul3A_1 = arith.constant 6400 : i32
    %mul3A_2 = arith.muli %add3A, %mul3A_1 : i32
    "tpu.region"() ({
      %run_scoped3A = tpu.sem_alloc : memref<!tpu.dma_semaphore, #tpu.memory_space<semaphore_mem>>
      %dma_start3A_161 = tpu.memref_slice %arg3[%mul3A_2] : memref<204800xi32, #tpu.memory_space<hbm>> -> memref<6400xi32, #tpu.memory_space<hbm>>
      %dma_start3A_162 = tpu.memref_slice %arg3[%mul3A_2] : memref<204800xi32, #tpu.memory_space<hbm>> -> memref<6400xi32, #tpu.memory_space<hbm>>
      tpu.enqueue_dma source(%dma_start3A_162 : memref<6400xi32, #tpu.memory_space<hbm>>) target(%arg5 : memref<6400xi32, #tpu.memory_space<vmem>>) target_semaphore(%run_scoped3A : memref<!tpu.dma_semaphore, #tpu.memory_space<semaphore_mem>>)
      %dma_wait3A_163 = tpu.memref_slice %arg3[%mul3A_2] : memref<204800xi32, #tpu.memory_space<hbm>> -> memref<6400xi32, #tpu.memory_space<hbm>>
      %dma_wait3A_164 = tpu.memref_slice %arg3[%mul3A_2] : memref<204800xi32, #tpu.memory_space<hbm>> -> memref<6400xi32, #tpu.memory_space<hbm>>
      tpu.wait_dma2 semaphore(%run_scoped3A : memref<!tpu.dma_semaphore, #tpu.memory_space<semaphore_mem>>) src(%dma_wait3A_164 : memref<6400xi32, #tpu.memory_space<hbm>>) dst(%arg5 : memref<6400xi32, #tpu.memory_space<vmem>>)
      tpu.yield
    }) : () -> ()
    %dma_start3A = arith.constant 0 : i32
    %dma_start3A_3 = tpu.memref_slice %arg5[%dma_start3A] : memref<6400xi32, #tpu.memory_space<vmem>> -> memref<800xi32, #tpu.memory_space<vmem>>
    %dma_start3A_4 = arith.constant 0 : i32
    %dma_start3A_5 = arith.constant 0 : i32
    %dma_start3A_6 = tpu.memref_slice %arg2[%dma_start3A_4, %dma_start3A_5] : memref<2768x64xf32, #tpu.memory_space<hbm>> -> memref<2768x64xf32, #tpu.memory_space<hbm>>
    tpu.enqueue_indirect_dma source(%dma_start3A_6 : memref<2768x64xf32, #tpu.memory_space<hbm>>) target(%arg6 : memref<800x64xf32, #tpu.memory_space<vmem>>) offsets(%dma_start3A_3 : memref<800xi32, #tpu.memory_space<vmem>>) semaphore(%arg8 : memref<!tpu.dma_semaphore, #tpu.memory_space<semaphore_mem>>)
    %dma_start3A_7 = arith.constant 800 : i32
    %dma_start3A_8 = tpu.memref_slice %arg5[%dma_start3A_7] : memref<6400xi32, #tpu.memory_space<vmem>> -> memref<800xi32, #tpu.memory_space<vmem>>
    %dma_start3A_9 = arith.constant 0 : i32
    %dma_start3A_10 = arith.constant 0 : i32
    %dma_start3A_11 = tpu.memref_slice %arg2[%dma_start3A_9, %dma_start3A_10] : memref<2768x64xf32, #tpu.memory_space<hbm>> -> memref<2768x64xf32, #tpu.memory_space<hbm>>
    tpu.enqueue_indirect_dma source(%dma_start3A_11 : memref<2768x64xf32, #tpu.memory_space<hbm>>) target(%arg7 : memref<800x64xf32, #tpu.memory_space<vmem>>) offsets(%dma_start3A_8 : memref<800xi32, #tpu.memory_space<vmem>>) semaphore(%arg9 : memref<!tpu.dma_semaphore, #tpu.memory_space<semaphore_mem>>)
    %dma_wait3A = arith.constant 0 : i32
    %dma_wait3A_12 = tpu.memref_slice %arg5[%dma_wait3A] : memref<6400xi32, #tpu.memory_space<vmem>> -> memref<800xi32, #tpu.memory_space<vmem>>
    %dma_wait3A_13 = arith.constant 0 : i32
    %dma_wait3A_14 = arith.constant 0 : i32
    %dma_wait3A_15 = tpu.memref_slice %arg2[%dma_wait3A_13, %dma_wait3A_14] : memref<2768x64xf32, #tpu.memory_space<hbm>> -> memref<2768x64xf32, #tpu.memory_space<hbm>>
    tpu.wait_indirect_dma semaphore(%arg8 : memref<!tpu.dma_semaphore, #tpu.memory_space<semaphore_mem>>) src(%dma_wait3A_15 : memref<2768x64xf32, #tpu.memory_space<hbm>>) dst(%arg6 : memref<800x64xf32, #tpu.memory_space<vmem>>)
    %add3A_16 = arith.constant 0 : i32
    %add3A_17 = arith.addi %mul3A_2, %add3A_16 : i32
    %dma_start3A_18 = arith.constant 0 : i32
    %dma_start3A_19 = tpu.memref_slice %arg4[%add3A_17, %dma_start3A_18] : memref<204800x128xf32, #tpu.memory_space<hbm>> -> memref<800x64xf32, #tpu.memory_space<hbm>>
    %dma_start3A_20 = arith.constant 0 : i32
    %dma_start3A_21 = tpu.memref_slice %arg4[%add3A_17, %dma_start3A_20] : memref<204800x128xf32, #tpu.memory_space<hbm>> -> memref<800x64xf32, #tpu.memory_space<hbm>>
    tpu.enqueue_dma source(%arg6 : memref<800x64xf32, #tpu.memory_space<vmem>>) target(%dma_start3A_21 : memref<800x64xf32, #tpu.memory_space<hbm>>) target_semaphore(%arg10 : memref<!tpu.dma_semaphore, #tpu.memory_space<semaphore_mem>>)
    %dma_wait3A_22 = arith.constant 0 : i32
    %dma_wait3A_23 = tpu.memref_slice %arg4[%add3A_17, %dma_wait3A_22] : memref<204800x128xf32, #tpu.memory_space<hbm>> -> memref<800x64xf32, #tpu.memory_space<hbm>>
    %dma_wait3A_24 = arith.constant 0 : i32
    %dma_wait3A_25 = tpu.memref_slice %arg4[%add3A_17, %dma_wait3A_24] : memref<204800x128xf32, #tpu.memory_space<hbm>> -> memref<800x64xf32, #tpu.memory_space<hbm>>
    tpu.wait_dma2 semaphore(%arg10 : memref<!tpu.dma_semaphore, #tpu.memory_space<semaphore_mem>>) src(%arg6 : memref<800x64xf32, #tpu.memory_space<vmem>>) dst(%dma_wait3A_25 : memref<800x64xf32, #tpu.memory_space<hbm>>)
    %dma_start3A_26 = arith.constant 1600 : i32
    %dma_start3A_27 = tpu.memref_slice %arg5[%dma_start3A_26] : memref<6400xi32, #tpu.memory_space<vmem>> -> memref<800xi32, #tpu.memory_space<vmem>>
    %dma_start3A_28 = arith.constant 0 : i32
    %dma_start3A_29 = arith.constant 0 : i32
    %dma_start3A_30 = tpu.memref_slice %arg2[%dma_start3A_28, %dma_start3A_29] : memref<2768x64xf32, #tpu.memory_space<hbm>> -> memref<2768x64xf32, #tpu.memory_space<hbm>>
    tpu.enqueue_indirect_dma source(%dma_start3A_30 : memref<2768x64xf32, #tpu.memory_space<hbm>>) target(%arg6 : memref<800x64xf32, #tpu.memory_space<vmem>>) offsets(%dma_start3A_27 : memref<800xi32, #tpu.memory_space<vmem>>) semaphore(%arg8 : memref<!tpu.dma_semaphore, #tpu.memory_space<semaphore_mem>>)
    %dma_wait3A_31 = arith.constant 800 : i32
    %dma_wait3A_32 = tpu.memref_slice %arg5[%dma_wait3A_31] : memref<6400xi32, #tpu.memory_space<vmem>> -> memref<800xi32, #tpu.memory_space<vmem>>
    %dma_wait3A_33 = arith.constant 0 : i32
    %dma_wait3A_34 = arith.constant 0 : i32
    %dma_wait3A_35 = tpu.memref_slice %arg2[%dma_wait3A_33, %dma_wait3A_34] : memref<2768x64xf32, #tpu.memory_space<hbm>> -> memref<2768x64xf32, #tpu.memory_space<hbm>>
    tpu.wait_indirect_dma semaphore(%arg9 : memref<!tpu.dma_semaphore, #tpu.memory_space<semaphore_mem>>) src(%dma_wait3A_35 : memref<2768x64xf32, #tpu.memory_space<hbm>>) dst(%arg7 : memref<800x64xf32, #tpu.memory_space<vmem>>)
    %add3A_36 = arith.constant 800 : i32
    %add3A_37 = arith.addi %mul3A_2, %add3A_36 : i32
    %dma_start3A_38 = arith.constant 0 : i32
    %dma_start3A_39 = tpu.memref_slice %arg4[%add3A_37, %dma_start3A_38] : memref<204800x128xf32, #tpu.memory_space<hbm>> -> memref<800x64xf32, #tpu.memory_space<hbm>>
    %dma_start3A_40 = arith.constant 0 : i32
    %dma_start3A_41 = tpu.memref_slice %arg4[%add3A_37, %dma_start3A_40] : memref<204800x128xf32, #tpu.memory_space<hbm>> -> memref<800x64xf32, #tpu.memory_space<hbm>>
    tpu.enqueue_dma source(%arg7 : memref<800x64xf32, #tpu.memory_space<vmem>>) target(%dma_start3A_41 : memref<800x64xf32, #tpu.memory_space<hbm>>) target_semaphore(%arg11 : memref<!tpu.dma_semaphore, #tpu.memory_space<semaphore_mem>>)
    %dma_wait3A_42 = arith.constant 0 : i32
    %dma_wait3A_43 = tpu.memref_slice %arg4[%add3A_37, %dma_wait3A_42] : memref<204800x128xf32, #tpu.memory_space<hbm>> -> memref<800x64xf32, #tpu.memory_space<hbm>>
    %dma_wait3A_44 = arith.constant 0 : i32
    %dma_wait3A_45 = tpu.memref_slice %arg4[%add3A_37, %dma_wait3A_44] : memref<204800x128xf32, #tpu.memory_space<hbm>> -> memref<800x64xf32, #tpu.memory_space<hbm>>
    tpu.wait_dma2 semaphore(%arg11 : memref<!tpu.dma_semaphore, #tpu.memory_space<semaphore_mem>>) src(%arg7 : memref<800x64xf32, #tpu.memory_space<vmem>>) dst(%dma_wait3A_45 : memref<800x64xf32, #tpu.memory_space<hbm>>)
    %dma_start3A_46 = arith.constant 2400 : i32
    %dma_start3A_47 = tpu.memref_slice %arg5[%dma_start3A_46] : memref<6400xi32, #tpu.memory_space<vmem>> -> memref<800xi32, #tpu.memory_space<vmem>>
    %dma_start3A_48 = arith.constant 0 : i32
    %dma_start3A_49 = arith.constant 0 : i32
    %dma_start3A_50 = tpu.memref_slice %arg2[%dma_start3A_48, %dma_start3A_49] : memref<2768x64xf32, #tpu.memory_space<hbm>> -> memref<2768x64xf32, #tpu.memory_space<hbm>>
    tpu.enqueue_indirect_dma source(%dma_start3A_50 : memref<2768x64xf32, #tpu.memory_space<hbm>>) target(%arg7 : memref<800x64xf32, #tpu.memory_space<vmem>>) offsets(%dma_start3A_47 : memref<800xi32, #tpu.memory_space<vmem>>) semaphore(%arg9 : memref<!tpu.dma_semaphore, #tpu.memory_space<semaphore_mem>>)
    %dma_wait3A_51 = arith.constant 1600 : i32
    %dma_wait3A_52 = tpu.memref_slice %arg5[%dma_wait3A_51] : memref<6400xi32, #tpu.memory_space<vmem>> -> memref<800xi32, #tpu.memory_space<vmem>>
    %dma_wait3A_53 = arith.constant 0 : i32
    %dma_wait3A_54 = arith.constant 0 : i32
    %dma_wait3A_55 = tpu.memref_slice %arg2[%dma_wait3A_53, %dma_wait3A_54] : memref<2768x64xf32, #tpu.memory_space<hbm>> -> memref<2768x64xf32, #tpu.memory_space<hbm>>
    tpu.wait_indirect_dma semaphore(%arg8 : memref<!tpu.dma_semaphore, #tpu.memory_space<semaphore_mem>>) src(%dma_wait3A_55 : memref<2768x64xf32, #tpu.memory_space<hbm>>) dst(%arg6 : memref<800x64xf32, #tpu.memory_space<vmem>>)
    %add3A_56 = arith.constant 1600 : i32
    %add3A_57 = arith.addi %mul3A_2, %add3A_56 : i32
    %dma_start3A_58 = arith.constant 0 : i32
    %dma_start3A_59 = tpu.memref_slice %arg4[%add3A_57, %dma_start3A_58] : memref<204800x128xf32, #tpu.memory_space<hbm>> -> memref<800x64xf32, #tpu.memory_space<hbm>>
    %dma_start3A_60 = arith.constant 0 : i32
    %dma_start3A_61 = tpu.memref_slice %arg4[%add3A_57, %dma_start3A_60] : memref<204800x128xf32, #tpu.memory_space<hbm>> -> memref<800x64xf32, #tpu.memory_space<hbm>>
    tpu.enqueue_dma source(%arg6 : memref<800x64xf32, #tpu.memory_space<vmem>>) target(%dma_start3A_61 : memref<800x64xf32, #tpu.memory_space<hbm>>) target_semaphore(%arg10 : memref<!tpu.dma_semaphore, #tpu.memory_space<semaphore_mem>>)
    %dma_wait3A_62 = arith.constant 0 : i32
    %dma_wait3A_63 = tpu.memref_slice %arg4[%add3A_57, %dma_wait3A_62] : memref<204800x128xf32, #tpu.memory_space<hbm>> -> memref<800x64xf32, #tpu.memory_space<hbm>>
    %dma_wait3A_64 = arith.constant 0 : i32
    %dma_wait3A_65 = tpu.memref_slice %arg4[%add3A_57, %dma_wait3A_64] : memref<204800x128xf32, #tpu.memory_space<hbm>> -> memref<800x64xf32, #tpu.memory_space<hbm>>
    tpu.wait_dma2 semaphore(%arg10 : memref<!tpu.dma_semaphore, #tpu.memory_space<semaphore_mem>>) src(%arg6 : memref<800x64xf32, #tpu.memory_space<vmem>>) dst(%dma_wait3A_65 : memref<800x64xf32, #tpu.memory_space<hbm>>)
    %dma_start3A_66 = arith.constant 3200 : i32
    %dma_start3A_67 = tpu.memref_slice %arg5[%dma_start3A_66] : memref<6400xi32, #tpu.memory_space<vmem>> -> memref<800xi32, #tpu.memory_space<vmem>>
    %dma_start3A_68 = arith.constant 0 : i32
    %dma_start3A_69 = arith.constant 0 : i32
    %dma_start3A_70 = tpu.memref_slice %arg2[%dma_start3A_68, %dma_start3A_69] : memref<2768x64xf32, #tpu.memory_space<hbm>> -> memref<2768x64xf32, #tpu.memory_space<hbm>>
    tpu.enqueue_indirect_dma source(%dma_start3A_70 : memref<2768x64xf32, #tpu.memory_space<hbm>>) target(%arg6 : memref<800x64xf32, #tpu.memory_space<vmem>>) offsets(%dma_start3A_67 : memref<800xi32, #tpu.memory_space<vmem>>) semaphore(%arg8 : memref<!tpu.dma_semaphore, #tpu.memory_space<semaphore_mem>>)
    %dma_wait3A_71 = arith.constant 2400 : i32
    %dma_wait3A_72 = tpu.memref_slice %arg5[%dma_wait3A_71] : memref<6400xi32, #tpu.memory_space<vmem>> -> memref<800xi32, #tpu.memory_space<vmem>>
    %dma_wait3A_73 = arith.constant 0 : i32
    %dma_wait3A_74 = arith.constant 0 : i32
    %dma_wait3A_75 = tpu.memref_slice %arg2[%dma_wait3A_73, %dma_wait3A_74] : memref<2768x64xf32, #tpu.memory_space<hbm>> -> memref<2768x64xf32, #tpu.memory_space<hbm>>
    tpu.wait_indirect_dma semaphore(%arg9 : memref<!tpu.dma_semaphore, #tpu.memory_space<semaphore_mem>>) src(%dma_wait3A_75 : memref<2768x64xf32, #tpu.memory_space<hbm>>) dst(%arg7 : memref<800x64xf32, #tpu.memory_space<vmem>>)
    %add3A_76 = arith.constant 2400 : i32
    %add3A_77 = arith.addi %mul3A_2, %add3A_76 : i32
    %dma_start3A_78 = arith.constant 0 : i32
    %dma_start3A_79 = tpu.memref_slice %arg4[%add3A_77, %dma_start3A_78] : memref<204800x128xf32, #tpu.memory_space<hbm>> -> memref<800x64xf32, #tpu.memory_space<hbm>>
    %dma_start3A_80 = arith.constant 0 : i32
    %dma_start3A_81 = tpu.memref_slice %arg4[%add3A_77, %dma_start3A_80] : memref<204800x128xf32, #tpu.memory_space<hbm>> -> memref<800x64xf32, #tpu.memory_space<hbm>>
    tpu.enqueue_dma source(%arg7 : memref<800x64xf32, #tpu.memory_space<vmem>>) target(%dma_start3A_81 : memref<800x64xf32, #tpu.memory_space<hbm>>) target_semaphore(%arg11 : memref<!tpu.dma_semaphore, #tpu.memory_space<semaphore_mem>>)
    %dma_wait3A_82 = arith.constant 0 : i32
    %dma_wait3A_83 = tpu.memref_slice %arg4[%add3A_77, %dma_wait3A_82] : memref<204800x128xf32, #tpu.memory_space<hbm>> -> memref<800x64xf32, #tpu.memory_space<hbm>>
    %dma_wait3A_84 = arith.constant 0 : i32
    %dma_wait3A_85 = tpu.memref_slice %arg4[%add3A_77, %dma_wait3A_84] : memref<204800x128xf32, #tpu.memory_space<hbm>> -> memref<800x64xf32, #tpu.memory_space<hbm>>
    tpu.wait_dma2 semaphore(%arg11 : memref<!tpu.dma_semaphore, #tpu.memory_space<semaphore_mem>>) src(%arg7 : memref<800x64xf32, #tpu.memory_space<vmem>>) dst(%dma_wait3A_85 : memref<800x64xf32, #tpu.memory_space<hbm>>)
    %dma_start3A_86 = arith.constant 4000 : i32
    %dma_start3A_87 = tpu.memref_slice %arg5[%dma_start3A_86] : memref<6400xi32, #tpu.memory_space<vmem>> -> memref<800xi32, #tpu.memory_space<vmem>>
    %dma_start3A_88 = arith.constant 0 : i32
    %dma_start3A_89 = arith.constant 0 : i32
    %dma_start3A_90 = tpu.memref_slice %arg2[%dma_start3A_88, %dma_start3A_89] : memref<2768x64xf32, #tpu.memory_space<hbm>> -> memref<2768x64xf32, #tpu.memory_space<hbm>>
    tpu.enqueue_indirect_dma source(%dma_start3A_90 : memref<2768x64xf32, #tpu.memory_space<hbm>>) target(%arg7 : memref<800x64xf32, #tpu.memory_space<vmem>>) offsets(%dma_start3A_87 : memref<800xi32, #tpu.memory_space<vmem>>) semaphore(%arg9 : memref<!tpu.dma_semaphore, #tpu.memory_space<semaphore_mem>>)
    %dma_wait3A_91 = arith.constant 3200 : i32
    %dma_wait3A_92 = tpu.memref_slice %arg5[%dma_wait3A_91] : memref<6400xi32, #tpu.memory_space<vmem>> -> memref<800xi32, #tpu.memory_space<vmem>>
    %dma_wait3A_93 = arith.constant 0 : i32
    %dma_wait3A_94 = arith.constant 0 : i32
    %dma_wait3A_95 = tpu.memref_slice %arg2[%dma_wait3A_93, %dma_wait3A_94] : memref<2768x64xf32, #tpu.memory_space<hbm>> -> memref<2768x64xf32, #tpu.memory_space<hbm>>
    tpu.wait_indirect_dma semaphore(%arg8 : memref<!tpu.dma_semaphore, #tpu.memory_space<semaphore_mem>>) src(%dma_wait3A_95 : memref<2768x64xf32, #tpu.memory_space<hbm>>) dst(%arg6 : memref<800x64xf32, #tpu.memory_space<vmem>>)
    %add3A_96 = arith.constant 3200 : i32
    %add3A_97 = arith.addi %mul3A_2, %add3A_96 : i32
    %dma_start3A_98 = arith.constant 0 : i32
    %dma_start3A_99 = tpu.memref_slice %arg4[%add3A_97, %dma_start3A_98] : memref<204800x128xf32, #tpu.memory_space<hbm>> -> memref<800x64xf32, #tpu.memory_space<hbm>>
    %dma_start3A_100 = arith.constant 0 : i32
    %dma_start3A_101 = tpu.memref_slice %arg4[%add3A_97, %dma_start3A_100] : memref<204800x128xf32, #tpu.memory_space<hbm>> -> memref<800x64xf32, #tpu.memory_space<hbm>>
    tpu.enqueue_dma source(%arg6 : memref<800x64xf32, #tpu.memory_space<vmem>>) target(%dma_start3A_101 : memref<800x64xf32, #tpu.memory_space<hbm>>) target_semaphore(%arg10 : memref<!tpu.dma_semaphore, #tpu.memory_space<semaphore_mem>>)
    %dma_wait3A_102 = arith.constant 0 : i32
    %dma_wait3A_103 = tpu.memref_slice %arg4[%add3A_97, %dma_wait3A_102] : memref<204800x128xf32, #tpu.memory_space<hbm>> -> memref<800x64xf32, #tpu.memory_space<hbm>>
    %dma_wait3A_104 = arith.constant 0 : i32
    %dma_wait3A_105 = tpu.memref_slice %arg4[%add3A_97, %dma_wait3A_104] : memref<204800x128xf32, #tpu.memory_space<hbm>> -> memref<800x64xf32, #tpu.memory_space<hbm>>
    tpu.wait_dma2 semaphore(%arg10 : memref<!tpu.dma_semaphore, #tpu.memory_space<semaphore_mem>>) src(%arg6 : memref<800x64xf32, #tpu.memory_space<vmem>>) dst(%dma_wait3A_105 : memref<800x64xf32, #tpu.memory_space<hbm>>)
    %dma_start3A_106 = arith.constant 4800 : i32
    %dma_start3A_107 = tpu.memref_slice %arg5[%dma_start3A_106] : memref<6400xi32, #tpu.memory_space<vmem>> -> memref<800xi32, #tpu.memory_space<vmem>>
    %dma_start3A_108 = arith.constant 0 : i32
    %dma_start3A_109 = arith.constant 0 : i32
    %dma_start3A_110 = tpu.memref_slice %arg2[%dma_start3A_108, %dma_start3A_109] : memref<2768x64xf32, #tpu.memory_space<hbm>> -> memref<2768x64xf32, #tpu.memory_space<hbm>>
    tpu.enqueue_indirect_dma source(%dma_start3A_110 : memref<2768x64xf32, #tpu.memory_space<hbm>>) target(%arg6 : memref<800x64xf32, #tpu.memory_space<vmem>>) offsets(%dma_start3A_107 : memref<800xi32, #tpu.memory_space<vmem>>) semaphore(%arg8 : memref<!tpu.dma_semaphore, #tpu.memory_space<semaphore_mem>>)
    %dma_wait3A_111 = arith.constant 4000 : i32
    %dma_wait3A_112 = tpu.memref_slice %arg5[%dma_wait3A_111] : memref<6400xi32, #tpu.memory_space<vmem>> -> memref<800xi32, #tpu.memory_space<vmem>>
    %dma_wait3A_113 = arith.constant 0 : i32
    %dma_wait3A_114 = arith.constant 0 : i32
    %dma_wait3A_115 = tpu.memref_slice %arg2[%dma_wait3A_113, %dma_wait3A_114] : memref<2768x64xf32, #tpu.memory_space<hbm>> -> memref<2768x64xf32, #tpu.memory_space<hbm>>
    tpu.wait_indirect_dma semaphore(%arg9 : memref<!tpu.dma_semaphore, #tpu.memory_space<semaphore_mem>>) src(%dma_wait3A_115 : memref<2768x64xf32, #tpu.memory_space<hbm>>) dst(%arg7 : memref<800x64xf32, #tpu.memory_space<vmem>>)
    %add3A_116 = arith.constant 4000 : i32
    %add3A_117 = arith.addi %mul3A_2, %add3A_116 : i32
    %dma_start3A_118 = arith.constant 0 : i32
    %dma_start3A_119 = tpu.memref_slice %arg4[%add3A_117, %dma_start3A_118] : memref<204800x128xf32, #tpu.memory_space<hbm>> -> memref<800x64xf32, #tpu.memory_space<hbm>>
    %dma_start3A_120 = arith.constant 0 : i32
    %dma_start3A_121 = tpu.memref_slice %arg4[%add3A_117, %dma_start3A_120] : memref<204800x128xf32, #tpu.memory_space<hbm>> -> memref<800x64xf32, #tpu.memory_space<hbm>>
    tpu.enqueue_dma source(%arg7 : memref<800x64xf32, #tpu.memory_space<vmem>>) target(%dma_start3A_121 : memref<800x64xf32, #tpu.memory_space<hbm>>) target_semaphore(%arg11 : memref<!tpu.dma_semaphore, #tpu.memory_space<semaphore_mem>>)
    %dma_wait3A_122 = arith.constant 0 : i32
    %dma_wait3A_123 = tpu.memref_slice %arg4[%add3A_117, %dma_wait3A_122] : memref<204800x128xf32, #tpu.memory_space<hbm>> -> memref<800x64xf32, #tpu.memory_space<hbm>>
    %dma_wait3A_124 = arith.constant 0 : i32
    %dma_wait3A_125 = tpu.memref_slice %arg4[%add3A_117, %dma_wait3A_124] : memref<204800x128xf32, #tpu.memory_space<hbm>> -> memref<800x64xf32, #tpu.memory_space<hbm>>
    tpu.wait_dma2 semaphore(%arg11 : memref<!tpu.dma_semaphore, #tpu.memory_space<semaphore_mem>>) src(%arg7 : memref<800x64xf32, #tpu.memory_space<vmem>>) dst(%dma_wait3A_125 : memref<800x64xf32, #tpu.memory_space<hbm>>)
    %dma_start3A_126 = arith.constant 5600 : i32
    %dma_start3A_127 = tpu.memref_slice %arg5[%dma_start3A_126] : memref<6400xi32, #tpu.memory_space<vmem>> -> memref<800xi32, #tpu.memory_space<vmem>>
    %dma_start3A_128 = arith.constant 0 : i32
    %dma_start3A_129 = arith.constant 0 : i32
    %dma_start3A_130 = tpu.memref_slice %arg2[%dma_start3A_128, %dma_start3A_129] : memref<2768x64xf32, #tpu.memory_space<hbm>> -> memref<2768x64xf32, #tpu.memory_space<hbm>>
    tpu.enqueue_indirect_dma source(%dma_start3A_130 : memref<2768x64xf32, #tpu.memory_space<hbm>>) target(%arg7 : memref<800x64xf32, #tpu.memory_space<vmem>>) offsets(%dma_start3A_127 : memref<800xi32, #tpu.memory_space<vmem>>) semaphore(%arg9 : memref<!tpu.dma_semaphore, #tpu.memory_space<semaphore_mem>>)
    %dma_wait3A_131 = arith.constant 4800 : i32
    %dma_wait3A_132 = tpu.memref_slice %arg5[%dma_wait3A_131] : memref<6400xi32, #tpu.memory_space<vmem>> -> memref<800xi32, #tpu.memory_space<vmem>>
    %dma_wait3A_133 = arith.constant 0 : i32
    %dma_wait3A_134 = arith.constant 0 : i32
    %dma_wait3A_135 = tpu.memref_slice %arg2[%dma_wait3A_133, %dma_wait3A_134] : memref<2768x64xf32, #tpu.memory_space<hbm>> -> memref<2768x64xf32, #tpu.memory_space<hbm>>
    tpu.wait_indirect_dma semaphore(%arg8 : memref<!tpu.dma_semaphore, #tpu.memory_space<semaphore_mem>>) src(%dma_wait3A_135 : memref<2768x64xf32, #tpu.memory_space<hbm>>) dst(%arg6 : memref<800x64xf32, #tpu.memory_space<vmem>>)
    %add3A_136 = arith.constant 4800 : i32
    %add3A_137 = arith.addi %mul3A_2, %add3A_136 : i32
    %dma_start3A_138 = arith.constant 0 : i32
    %dma_start3A_139 = tpu.memref_slice %arg4[%add3A_137, %dma_start3A_138] : memref<204800x128xf32, #tpu.memory_space<hbm>> -> memref<800x64xf32, #tpu.memory_space<hbm>>
    %dma_start3A_140 = arith.constant 0 : i32
    %dma_start3A_141 = tpu.memref_slice %arg4[%add3A_137, %dma_start3A_140] : memref<204800x128xf32, #tpu.memory_space<hbm>> -> memref<800x64xf32, #tpu.memory_space<hbm>>
    tpu.enqueue_dma source(%arg6 : memref<800x64xf32, #tpu.memory_space<vmem>>) target(%dma_start3A_141 : memref<800x64xf32, #tpu.memory_space<hbm>>) target_semaphore(%arg10 : memref<!tpu.dma_semaphore, #tpu.memory_space<semaphore_mem>>)
    %dma_wait3A_142 = arith.constant 5600 : i32
    %dma_wait3A_143 = tpu.memref_slice %arg5[%dma_wait3A_142] : memref<6400xi32, #tpu.memory_space<vmem>> -> memref<800xi32, #tpu.memory_space<vmem>>
    %dma_wait3A_144 = arith.constant 0 : i32
    %dma_wait3A_145 = arith.constant 0 : i32
    %dma_wait3A_146 = tpu.memref_slice %arg2[%dma_wait3A_144, %dma_wait3A_145] : memref<2768x64xf32, #tpu.memory_space<hbm>> -> memref<2768x64xf32, #tpu.memory_space<hbm>>
    tpu.wait_indirect_dma semaphore(%arg9 : memref<!tpu.dma_semaphore, #tpu.memory_space<semaphore_mem>>) src(%dma_wait3A_146 : memref<2768x64xf32, #tpu.memory_space<hbm>>) dst(%arg7 : memref<800x64xf32, #tpu.memory_space<vmem>>)
    %add3A_147 = arith.constant 5600 : i32
    %add3A_148 = arith.addi %mul3A_2, %add3A_147 : i32
    %dma_start3A_149 = arith.constant 0 : i32
    %dma_start3A_150 = tpu.memref_slice %arg4[%add3A_148, %dma_start3A_149] : memref<204800x128xf32, #tpu.memory_space<hbm>> -> memref<800x64xf32, #tpu.memory_space<hbm>>
    %dma_start3A_151 = arith.constant 0 : i32
    %dma_start3A_152 = tpu.memref_slice %arg4[%add3A_148, %dma_start3A_151] : memref<204800x128xf32, #tpu.memory_space<hbm>> -> memref<800x64xf32, #tpu.memory_space<hbm>>
    tpu.enqueue_dma source(%arg7 : memref<800x64xf32, #tpu.memory_space<vmem>>) target(%dma_start3A_152 : memref<800x64xf32, #tpu.memory_space<hbm>>) target_semaphore(%arg11 : memref<!tpu.dma_semaphore, #tpu.memory_space<semaphore_mem>>)
    %dma_wait3A_153 = arith.constant 0 : i32
    %dma_wait3A_154 = tpu.memref_slice %arg4[%add3A_137, %dma_wait3A_153] : memref<204800x128xf32, #tpu.memory_space<hbm>> -> memref<800x64xf32, #tpu.memory_space<hbm>>
    %dma_wait3A_155 = arith.constant 0 : i32
    %dma_wait3A_156 = tpu.memref_slice %arg4[%add3A_137, %dma_wait3A_155] : memref<204800x128xf32, #tpu.memory_space<hbm>> -> memref<800x64xf32, #tpu.memory_space<hbm>>
    tpu.wait_dma2 semaphore(%arg10 : memref<!tpu.dma_semaphore, #tpu.memory_space<semaphore_mem>>) src(%arg6 : memref<800x64xf32, #tpu.memory_space<vmem>>) dst(%dma_wait3A_156 : memref<800x64xf32, #tpu.memory_space<hbm>>)
    %dma_wait3A_157 = arith.constant 0 : i32
    %dma_wait3A_158 = tpu.memref_slice %arg4[%add3A_148, %dma_wait3A_157] : memref<204800x128xf32, #tpu.memory_space<hbm>> -> memref<800x64xf32, #tpu.memory_space<hbm>>
    %dma_wait3A_159 = arith.constant 0 : i32
    %dma_wait3A_160 = tpu.memref_slice %arg4[%add3A_148, %dma_wait3A_159] : memref<204800x128xf32, #tpu.memory_space<hbm>> -> memref<800x64xf32, #tpu.memory_space<hbm>>
    tpu.wait_dma2 semaphore(%arg11 : memref<!tpu.dma_semaphore, #tpu.memory_space<semaphore_mem>>) src(%arg7 : memref<800x64xf32, #tpu.memory_space<vmem>>) dst(%dma_wait3A_160 : memref<800x64xf32, #tpu.memory_space<hbm>>)
    return
  }
}

module attributes {stable_mosaic.version = 14 : i64} {
  func.func @_build_body(%arg0: memref<512x64xf32, #tpu.memory_space<vmem>>, %arg1: memref<1x64xf32, #tpu.memory_space<vmem>>, %arg2: memref<1x64xf32, #tpu.memory_space<vmem>>, %arg3: memref<1x64xf32, #tpu.memory_space<vmem>>, %arg4: memref<1x64xf32, #tpu.memory_space<vmem>>, %arg5: memref<1x32xf32, #tpu.memory_space<vmem>>, %arg6: memref<1x32xf32, #tpu.memory_space<vmem>>, %arg7: memref<32x64xf32, #tpu.memory_space<vmem>>, %arg8: memref<1x64xf32, #tpu.memory_space<vmem>>, %arg9: memref<1x64xf32, #tpu.memory_space<vmem>>, %arg10: memref<1x64xf32, #tpu.memory_space<vmem>>, %arg11: memref<128x64xf32, #tpu.memory_space<vmem>>, %arg12: memref<2768x64xf32, #tpu.memory_space<vmem>>) attributes {dimension_semantics = [], scalar_prefetch = 0 : i64, scratch_operands = 0 : i64, tpu.core_type = #tpu.core_type<tc>} {
    %get3A = arith.constant 0 : index
    %get3A_0 = arith.constant 0 : index
    %get3A_1 = vector.load %arg0[%get3A, %get3A_0] : memref<512x64xf32, #tpu.memory_space<vmem>>, vector<512x64xf32>
    %swap3A = arith.constant 0 : index
    %swap3A_2 = arith.constant 0 : index
    %swap3A_3 = vector.load %arg12[%swap3A, %swap3A_2] : memref<2768x64xf32, #tpu.memory_space<vmem>>, vector<512x64xf32>
    tpu.vector_store %arg12[%swap3A, %swap3A_2], %get3A_1 {strides = array<i32>} : memref<2768x64xf32, #tpu.memory_space<vmem>>, vector<512x64xf32>,
    %iota3A = tpu.iota {dimensions = array<i32: 1>} : vector<1x64xi32>
    %lt3A = arith.constant 32 : i32
    %lt3A_4 = vector.broadcast %lt3A : i32 to vector<1x64xi32>
    %lt3A_5 = arith.cmpi slt, %iota3A, %lt3A_4 : vector<1x64xi32>
    %iota3A_6 = tpu.iota {dimensions = array<i32: 0>} : vector<1000x1xi32>
    %convert_element_type3A = arith.sitofp %iota3A_6 : vector<1000x1xi32> to vector<1000x1xf32>
    %div3A = arith.constant 1.000000e+03 : f32
    %div3A_7 = vector.broadcast %div3A : f32 to vector<1000x1xf32>
    %div3A_8 = arith.divf %convert_element_type3A, %div3A_7 : vector<1000x1xf32>
    %get3A_9 = arith.constant 0 : index
    %get3A_10 = arith.constant 0 : index
    %get3A_11 = vector.load %arg1[%get3A_9, %get3A_10] : memref<1x64xf32, #tpu.memory_space<vmem>>, vector<1x64xf32>
    %mul3A = vector.broadcast %div3A_8 : vector<1000x1xf32> to vector<1000x64xf32>
    %mul3A_12 = vector.broadcast %get3A_11 : vector<1x64xf32> to vector<1000x64xf32>
    %mul3A_13 = arith.mulf %mul3A, %mul3A_12 : vector<1000x64xf32>
    %get3A_14 = arith.constant 0 : index
    %get3A_15 = arith.constant 0 : index
    %get3A_16 = vector.load %arg2[%get3A_14, %get3A_15] : memref<1x64xf32, #tpu.memory_space<vmem>>, vector<1x64xf32>
    %add3A = vector.broadcast %get3A_16 : vector<1x64xf32> to vector<1000x64xf32>
    %add3A_17 = arith.addf %mul3A_13, %add3A : vector<1000x64xf32>
    %sin3A = math.sin %add3A_17 : vector<1000x64xf32>
    %broadcast_in_dim3A = vector.shape_cast %lt3A_5 : vector<1x64xi1> to vector<1x64xi1>
    %broadcast_in_dim3A_18 = vector.broadcast %broadcast_in_dim3A : vector<1x64xi1> to vector<1000x64xi1>
    %select_n3A = arith.select %broadcast_in_dim3A_18, %add3A_17, %sin3A : vector<1000x64xi1>, vector<1000x64xf32>
    %swap3A_19 = arith.constant 512 : index
    %swap3A_20 = arith.constant 0 : index
    %swap3A_21 = vector.load %arg12[%swap3A_19, %swap3A_20] : memref<2768x64xf32, #tpu.memory_space<vmem>>, vector<1000x64xf32>
    tpu.vector_store %arg12[%swap3A_19, %swap3A_20], %select_n3A {strides = array<i32>} : memref<2768x64xf32, #tpu.memory_space<vmem>>, vector<1000x64xf32>,
    %iota3A_22 = tpu.iota {dimensions = array<i32: 0>} : vector<1000x1xi32>
    %convert_element_type3A_23 = arith.sitofp %iota3A_22 : vector<1000x1xi32> to vector<1000x1xf32>
    %div3A_24 = arith.constant 1.000000e+03 : f32
    %div3A_25 = vector.broadcast %div3A_24 : f32 to vector<1000x1xf32>
    %div3A_26 = arith.divf %convert_element_type3A_23, %div3A_25 : vector<1000x1xf32>
    %get3A_27 = arith.constant 0 : index
    %get3A_28 = arith.constant 0 : index
    %get3A_29 = vector.load %arg3[%get3A_27, %get3A_28] : memref<1x64xf32, #tpu.memory_space<vmem>>, vector<1x64xf32>
    %mul3A_30 = vector.broadcast %div3A_26 : vector<1000x1xf32> to vector<1000x64xf32>
    %mul3A_31 = vector.broadcast %get3A_29 : vector<1x64xf32> to vector<1000x64xf32>
    %mul3A_32 = arith.mulf %mul3A_30, %mul3A_31 : vector<1000x64xf32>
    %get3A_33 = arith.constant 0 : index
    %get3A_34 = arith.constant 0 : index
    %get3A_35 = vector.load %arg4[%get3A_33, %get3A_34] : memref<1x64xf32, #tpu.memory_space<vmem>>, vector<1x64xf32>
    %add3A_36 = vector.broadcast %get3A_35 : vector<1x64xf32> to vector<1000x64xf32>
    %add3A_37 = arith.addf %mul3A_32, %add3A_36 : vector<1000x64xf32>
    %sin3A_38 = math.sin %add3A_37 : vector<1000x64xf32>
    %broadcast_in_dim3A_39 = vector.shape_cast %lt3A_5 : vector<1x64xi1> to vector<1x64xi1>
    %broadcast_in_dim3A_40 = vector.broadcast %broadcast_in_dim3A_39 : vector<1x64xi1> to vector<1000x64xi1>
    %select_n3A_41 = arith.select %broadcast_in_dim3A_40, %add3A_37, %sin3A_38 : vector<1000x64xi1>, vector<1000x64xf32>
    %swap3A_42 = arith.constant 1768 : index
    %swap3A_43 = arith.constant 0 : index
    %swap3A_44 = vector.load %arg12[%swap3A_42, %swap3A_43] : memref<2768x64xf32, #tpu.memory_space<vmem>>, vector<1000x64xf32>
    tpu.vector_store %arg12[%swap3A_42, %swap3A_43], %select_n3A_41 {strides = array<i32>} : memref<2768x64xf32, #tpu.memory_space<vmem>>, vector<1000x64xf32>,
    %get3A_45 = arith.constant 0 : index
    %get3A_46 = arith.constant 0 : index
    %get3A_47 = vector.load %arg11[%get3A_45, %get3A_46] : memref<128x64xf32, #tpu.memory_space<vmem>>, vector<128x64xf32>
    %swap3A_48 = arith.constant 1512 : index
    %swap3A_49 = arith.constant 0 : index
    %swap3A_50 = vector.load %arg12[%swap3A_48, %swap3A_49] : memref<2768x64xf32, #tpu.memory_space<vmem>>, vector<128x64xf32>
    tpu.vector_store %arg12[%swap3A_48, %swap3A_49], %get3A_47 {strides = array<i32>} : memref<2768x64xf32, #tpu.memory_space<vmem>>, vector<128x64xf32>,
    %iota3A_51 = tpu.iota {dimensions = array<i32: 0>} : vector<128x1xi32>
    %convert_element_type3A_52 = arith.sitofp %iota3A_51 : vector<128x1xi32> to vector<128x1xf32>
    %div3A_53 = arith.constant 1.280000e+02 : f32
    %div3A_54 = vector.broadcast %div3A_53 : f32 to vector<128x1xf32>
    %div3A_55 = arith.divf %convert_element_type3A_52, %div3A_54 : vector<128x1xf32>
    %get3A_56 = arith.constant 0 : index
    %get3A_57 = arith.constant 0 : index
    %get3A_58 = vector.load %arg5[%get3A_56, %get3A_57] : memref<1x32xf32, #tpu.memory_space<vmem>>, vector<1x32xf32>
    %mul3A_59 = vector.broadcast %div3A_55 : vector<128x1xf32> to vector<128x32xf32>
    %mul3A_60 = vector.broadcast %get3A_58 : vector<1x32xf32> to vector<128x32xf32>
    %mul3A_61 = arith.mulf %mul3A_59, %mul3A_60 : vector<128x32xf32>
    %get3A_62 = arith.constant 0 : index
    %get3A_63 = arith.constant 0 : index
    %get3A_64 = vector.load %arg6[%get3A_62, %get3A_63] : memref<1x32xf32, #tpu.memory_space<vmem>>, vector<1x32xf32>
    %add3A_65 = vector.broadcast %get3A_64 : vector<1x32xf32> to vector<128x32xf32>
    %add3A_66 = arith.addf %mul3A_61, %add3A_65 : vector<128x32xf32>
    %mul3A_67 = arith.constant 5.000000e-01 : f32
    %mul3A_68 = vector.broadcast %mul3A_67 : f32 to vector<128x32xf32>
    %mul3A_69 = arith.mulf %mul3A_68, %add3A_66 : vector<128x32xf32>
    %mul3A_70 = arith.constant 0.707106769 : f32
    %mul3A_71 = vector.broadcast %mul3A_70 : f32 to vector<128x32xf32>
    %mul3A_72 = arith.mulf %add3A_66, %mul3A_71 : vector<128x32xf32>
    %erf3A = math.erf %mul3A_72 : vector<128x32xf32>
    %add3A_73 = arith.constant 1.000000e+00 : f32
    %add3A_74 = vector.broadcast %add3A_73 : f32 to vector<128x32xf32>
    %add3A_75 = arith.addf %add3A_74, %erf3A : vector<128x32xf32>
    %mul3A_76 = arith.mulf %mul3A_69, %add3A_75 : vector<128x32xf32>
    %get3A_77 = arith.constant 0 : index
    %get3A_78 = arith.constant 0 : index
    %get3A_79 = vector.load %arg7[%get3A_77, %get3A_78] : memref<32x64xf32, #tpu.memory_space<vmem>>, vector<32x64xf32>
    %dot_general3A = arith.constant dense<0.000000e+00> : vector<128x64xf32>
    %dot_general3A_80 = tpu.matmul %mul3A_76, %get3A_79, %dot_general3A {dimension_numbers = #tpu.dot_dimension_numbers<[1], [0], [0], [1], [0, 0, 1, 1], [], []>, transpose_lhs_hint = false} : vector<128x32xf32>, vector<32x64xf32>, vector<128x64xf32> -> vector<128x64xf32>
    %get3A_81 = arith.constant 0 : index
    %get3A_82 = arith.constant 0 : index
    %get3A_83 = vector.load %arg8[%get3A_81, %get3A_82] : memref<1x64xf32, #tpu.memory_space<vmem>>, vector<1x64xf32>
    %add3A_84 = vector.broadcast %get3A_83 : vector<1x64xf32> to vector<128x64xf32>
    %add3A_85 = arith.addf %dot_general3A_80, %add3A_84 : vector<128x64xf32>
    %reduce_sum3A = arith.constant dense<0.000000e+00> : vector<128xf32>
    %reduce_sum3A_86 = vector.multi_reduction <add>, %add3A_85, %reduce_sum3A [1] : vector<128x64xf32> to vector<128xf32>
    %broadcast_in_dim3A_87 = vector.shape_cast %reduce_sum3A_86 : vector<128xf32> to vector<128x1xf32>
    %div3A_88 = arith.constant 6.400000e+01 : f32
    %div3A_89 = vector.broadcast %div3A_88 : f32 to vector<128x1xf32>
    %div3A_90 = arith.divf %broadcast_in_dim3A_87, %div3A_89 : vector<128x1xf32>
    %sub3A = vector.broadcast %div3A_90 : vector<128x1xf32> to vector<128x64xf32>
    %sub3A_91 = arith.subf %add3A_85, %sub3A : vector<128x64xf32>
    %integer_pow3A = arith.mulf %sub3A_91, %sub3A_91 : vector<128x64xf32>
    %reduce_sum3A_92 = arith.constant dense<0.000000e+00> : vector<128xf32>
    %reduce_sum3A_93 = vector.multi_reduction <add>, %integer_pow3A, %reduce_sum3A_92 [1] : vector<128x64xf32> to vector<128xf32>
    %broadcast_in_dim3A_94 = vector.shape_cast %reduce_sum3A_93 : vector<128xf32> to vector<128x1xf32>
    %div3A_95 = arith.constant 6.400000e+01 : f32
    %div3A_96 = vector.broadcast %div3A_95 : f32 to vector<128x1xf32>
    %div3A_97 = arith.divf %broadcast_in_dim3A_94, %div3A_96 : vector<128x1xf32>
    %sub3A_98 = vector.broadcast %div3A_90 : vector<128x1xf32> to vector<128x64xf32>
    %sub3A_99 = arith.subf %add3A_85, %sub3A_98 : vector<128x64xf32>
    %add3A_100 = arith.constant 9.99999974E-6 : f32
    %add3A_101 = vector.broadcast %add3A_100 : f32 to vector<128x1xf32>
    %add3A_102 = arith.addf %div3A_97, %add3A_101 : vector<128x1xf32>
    %sqrt3A = math.sqrt %add3A_102 : vector<128x1xf32>
    %div3A_103 = vector.broadcast %sqrt3A : vector<128x1xf32> to vector<128x64xf32>
    %div3A_104 = arith.divf %sub3A_99, %div3A_103 : vector<128x64xf32>
    %get3A_105 = arith.constant 0 : index
    %get3A_106 = arith.constant 0 : index
    %get3A_107 = vector.load %arg9[%get3A_105, %get3A_106] : memref<1x64xf32, #tpu.memory_space<vmem>>, vector<1x64xf32>
    %mul3A_108 = vector.broadcast %get3A_107 : vector<1x64xf32> to vector<128x64xf32>
    %mul3A_109 = arith.mulf %div3A_104, %mul3A_108 : vector<128x64xf32>
    %get3A_110 = arith.constant 0 : index
    %get3A_111 = arith.constant 0 : index
    %get3A_112 = vector.load %arg10[%get3A_110, %get3A_111] : memref<1x64xf32, #tpu.memory_space<vmem>>, vector<1x64xf32>
    %add3A_113 = vector.broadcast %get3A_112 : vector<1x64xf32> to vector<128x64xf32>
    %add3A_114 = arith.addf %mul3A_109, %add3A_113 : vector<128x64xf32>
    %swap3A_115 = arith.constant 1640 : index
    %swap3A_116 = arith.constant 0 : index
    %swap3A_117 = vector.load %arg12[%swap3A_115, %swap3A_116] : memref<2768x64xf32, #tpu.memory_space<vmem>>, vector<128x64xf32>
    tpu.vector_store %arg12[%swap3A_115, %swap3A_116], %add3A_114 {strides = array<i32>} : memref<2768x64xf32, #tpu.memory_space<vmem>>, vector<128x64xf32>,
    return
  }
}

</mosaic_0001>

<sc_bundles>
// kernel: kernel.4.cloned.1.call-start
scs
__scs_entry_jumppad:
0x0: {  	(pc) =	sbr.rel $0x88, $3  }
0x1: {  	(tag) =	ssettag $0x0;
	lr =	simm.s32 $0x1  }
0x2: {  	[smem:$0x3F91] =	sst lr;
	_ =	strace $0xD0000000  }
0x3: {  	_ = 	snop  }
0x4: {  	_ = 	snop  }
0x5: {  	_ = 	snop  }
0x6: {  	_ = 	snop  }
0x7: {  	_ = 	snop  }
__scs_overlays_trampoline_lowered:
0x8: {  	[smem:$0x3FA0] =	sst s0  }
0x9: {  	[smem:$0x3FA1] =	sst s1  }
0xa: {  	[smem:$0x3FA2] =	sst s2  }
0xb: {  	[smem:$0x3FA3] =	sst s3  }
0xc: {  	[smem:$0x3FA4] =	sst s4  }
0xd: {  	[smem:$0x3FA5] =	sst s5  }
0xe: {  	[smem:$0x3FA6] =	sst s6  }
0xf: {  	[smem:$0x3FA7] =	sst s7  }
0x10: {  	[smem:$0x3FA8] =	sst s8  }
0x11: {  	[smem:$0x3FA9] =	sst s9;
	s0 =	simm.s32 @!p0 $0x0  }
0x12: {  	s1 =	sld [smem:$0x3F8F];
	s0 =	simm.s32 @p0 $0x1  }
0x13: {  	[smem:$0x3FAA] =	sst s0;
	s0 =	simm.s32 @!p1 $0x0  }
0x14: {  	s2 =	sld [smem:$0x3F8E];
	s0 =	simm.s32 @p1 $0x1  }
0x15: {  	[smem:$0x3FAB] =	sst s0;
	s0 =	simm.s32 @!p2 $0x0  }
0x16: {  	s3 =	sld [smem:$0x3FDB];
	s0 =	simm.s32 @p2 $0x1  }
0x17: {  	s4 =	simm.s32 $0x1BF5;
	[smem:$0x3FAD] =	sst s0  }
0x18: {  	s0 =	sld [smem:$0x3F90];
	_ =	swait.ge [sflag:s4], $0x0  }
0x19: {  	s7 =	sld [smem:$0x3F91]  }
0x1a: {  	s8 =	sadd.s32 $0xFFFFE003, lr  }
0x1b: {  	s9 =	sadd.s32 $0xFFFFFEF7, lr;
	s5 =	simm.s32 $0xFFFFFFFF;
	p2 =	slt.u32 s8, $0xFFFFF086  }
0x1c: {  	p1 =	slt.u32 s9, $0xF7A;
	s5 =	simm.s32 @!p2 $0x0  }
0x1d: {  	s5 =	simm.s32 @p1 $0x1;
	p0 =	seq.s32 s7, s2  }
0x1e: {  	s7 =	smul.u32 @!p0 $0xF7A, s2;
	p2 =	seq.s32 @!p0 s5, $0x0  }
0x1f: {  	s9 =	smul.u32 $0xF7A, s1;
	s8 =	simm.s32 @!p0 $0x1BF5;
	p2 =	por !p2, p0  }
0x20: {  	[sflag:s8] =	ssyncset.s32 @!p0 $0xFFFFF086;
	s6 =	sadd.s32 @!p0 s3, s7;
	s7 =	simm.s32 @!p0 $0x108  }
0x21: {  	s3 =	sadd.s32 s3, s9;
	s6 =	sadd.s32 @!p0 $0x88, s6;
	s7 =	simm.s32 @p2 $0x1082  }
0x22: {  	[simem:s7], [sflag:s8] =	dma.local @!p0 [hbm:s6], $0xF7A  }
0x23: {  	s9 =	sor.u32 $0xD0000000, s2;
	s6 =	simm.s32 $0x108;
	_ =	swait.ge @!p0 [sflag:s8], $0x0  }
0x24: {  	s3 =	sadd.s32 $0x88, s3;
	s6 =	simm.s32 @!p1 $0x1082;
	[sflag:s4] =	ssyncset.s32 $0xFFFFF086  }
0x25: {  	[simem:s6], [sflag:s4] =	dma.local [hbm:s3], $0xF7A  }
0x26: {  	[smem:$0x3F91] =	sst s1;
	(tag) =	ssettag s2;
	_ =	strace s9  }
0x27: {  	s1 =	sld [smem:$0x3FA1]  }
0x28: {  	s2 =	sld [smem:$0x3FA2]  }
0x29: {  	s4 =	sld [smem:$0x3FA4]  }
0x2a: {  	p0 =	seq.s32 s5, $0x0;
	s5 =	sld [smem:$0x3FA5]  }
0x2b: {  	s6 =	sld [smem:$0x3FA6]  }
0x2c: {  	s7 =	sld [smem:$0x3FA7]  }
0x2d: {  	s3 =	simm.s32 $0x108;
	s8 =	sld [smem:$0x3FA8]  }
0x2e: {  	s3 =	simm.s32 @!p0 $0x1082;
	s9 =	sld [smem:$0x3FA9]  }
0x2f: {  	lr =	sadd.s32 s0, s3;
	s0 =	sld [smem:$0x3FA0]  }
0x30: {  	s3 =	sld [smem:$0x3FA3]  }
0x31: {  	[smem:$0x3FAC] =	sst s10  }
0x32: {  	s10 =	sld [smem:$0x3FAA];
	_ =	sdelay $0x3  }
0x33: {  	p0 =	seq.s32 s10, $0x1;
	s10 =	sld [smem:$0x3FAC];
	_ =	sdelay $0x3  }
0x34: {  	[smem:$0x3FAC] =	sst s10  }
0x35: {  	s10 =	sld [smem:$0x3FAB];
	_ =	sdelay $0x3  }
0x36: {  	p1 =	seq.s32 s10, $0x1;
	s10 =	sld [smem:$0x3FAC];
	_ =	sdelay $0x3  }
0x37: {  	[smem:$0x3FAC] =	sst s10  }
0x38: {  	s10 =	sld [smem:$0x3FAD]  }
0x39: {  	_ = 	snop;
	(pc) =	sbr.ind lr, $3  }
0x3a: {  	_ = 	snop  }
0x3b: {  	_ = 	snop  }
0x3c: {  	p2 =	seq.s32 s10, $0x1;
	s10 =	sld [smem:$0x3FAC]  }
0x3d: {  	_ =	shalt  }
0x3e: {  	_ =	shalt  }
0x3f: {  	_ =	shalt  }
0x40: {  	_ =	shalt  }
0x41: {  	_ =	shalt  }
0x42: {  	_ =	shalt  }
0x43: {  	_ =	shalt  }
0x44: {  	_ =	shalt  }
0x45: {  	_ =	shalt  }
0x46: {  	_ =	shalt  }
0x47: {  	_ =	shalt  }
0x48: {  	_ =	shalt  }
0x49: {  	_ =	shalt  }
0x4a: {  	_ =	shalt  }
0x4b: {  	_ =	shalt  }
0x4c: {  	_ =	shalt  }
0x4d: {  	_ =	shalt  }
0x4e: {  	_ =	shalt  }
0x4f: {  	_ =	shalt  }
0x50: {  	_ =	shalt  }
0x51: {  	_ =	shalt  }
0x52: {  	_ =	shalt  }
0x53: {  	_ =	shalt  }
0x54: {  	_ =	shalt  }
0x55: {  	_ =	shalt  }
0x56: {  	_ =	shalt  }
0x57: {  	_ =	shalt  }
0x58: {  	_ =	shalt  }
0x59: {  	_ =	shalt  }
0x5a: {  	_ =	shalt  }
0x5b: {  	_ =	shalt  }
0x5c: {  	_ =	shalt  }
0x5d: {  	_ =	shalt  }
0x5e: {  	_ =	shalt  }
0x5f: {  	_ =	shalt  }
0x60: {  	_ =	shalt  }
0x61: {  	_ =	shalt  }
0x62: {  	_ =	shalt  }
0x63: {  	_ =	shalt  }
0x64: {  	_ =	shalt  }
0x65: {  	_ =	shalt  }
0x66: {  	_ =	shalt  }
0x67: {  	_ =	shalt  }
0x68: {  	_ =	shalt  }
0x69: {  	_ =	shalt  }
0x6a: {  	_ =	shalt  }
0x6b: {  	_ =	shalt  }
0x6c: {  	_ =	shalt  }
0x6d: {  	_ =	shalt  }
0x6e: {  	_ =	shalt  }
0x6f: {  	_ =	shalt  }
0x70: {  	_ =	shalt  }
0x71: {  	_ =	shalt  }
0x72: {  	_ =	shalt  }
0x73: {  	_ =	shalt  }
0x74: {  	_ =	shalt  }
0x75: {  	_ =	shalt  }
0x76: {  	_ =	shalt  }
0x77: {  	_ =	shalt  }
0x78: {  	_ =	shalt  }
0x79: {  	_ =	shalt  }
0x7a: {  	_ =	shalt  }
0x7b: {  	_ =	shalt  }
0x7c: {  	_ =	shalt  }
0x7d: {  	_ =	shalt  }
0x7e: {  	_ =	shalt  }
0x7f: {  	_ =	shalt  }
0x80: {  	_ =	shalt  }
0x81: {  	_ =	shalt  }
0x82: {  	_ =	shalt  }
0x83: {  	_ =	shalt  }
0x84: {  	_ =	shalt  }
0x85: {  	_ =	shalt  }
0x86: {  	_ =	shalt  }
0x87: {  	_ =	shalt  }
.Lfunc_end0:
.L_simem_size_0:
called_computation.1_lowered:
.L_overlay_start_0:
0x88: {  	s2 =	sld [smem:$0x3FD9]  }
0x89: {  	s3 =	sld [smem:$0x3FFE];
	_ =	sdelay $0x1  }
0x8a: {  	s1 =	srdreg.scid  }
0x8b: {  	s0 =	sand.u32 $0x1, s1  }
0x8c: {  	s17 =	sshll.u32 s0, $0xA;
	s2 =	sadd.s32 s3, s2  }
0x8d: {  	s2 =	sadd.s32 s2, s17  }
0x8e: {  	[smem:$0x3FB8] =	sst s2  }
0x8f: {  	_ = 	snop  }
0x90: {  	s2 =	sld [smem:$0x3FD0];
	(tm) =	ssettm $0x1  }
0x91: {  	s18 =	sld [smem:$0x3FFB];
	_ =	sdelay $0x3  }
0x92: {  	_ =	strace s18  }
0x93: {  	s3 =	sld [smem:$0x3FFC];
	_ =	sdelay $0x3  }
0x94: {  	_ =	strace s3  }
0x95: {  	s3 =	sld [smem:$0x3FFD];
	_ =	sdelay $0x3  }
0x96: {  	_ =	strace s3  }
0x97: {  	_ =	strace $0x8FFFFFFF  }
0x98: {  	s19 =	sld [smem:$0x3FDB];
	_ =	sdelay $0x1  }
0x99: {  	s4 =	simm.s32 $_scs_section_size  }
0x9a: {  	s5 =	simm.s32 $_size__tile_overlayer_lowered;
	s6 =	simm.s32 $_tile_overlayer_lowered  }
0x9b: {  	s22 =	simm.s32 $0x1BFF;
	s21 =	sshll.u32 s6, $0x1;
	s3 =	sadd.s32 s4, s19  }
0x9c: {  	s7 =	simm.s32 $0x0;
	s20 =	sshll.u32 s5, $0x1;
	s5 =	sadd.s32 s21, s3  }
0x9d: {  	[timem:s7], [sflag:s22] =	dma.local [hbm:s5], s20  }
0x9e: {  	_ =	swait.ge [sflag:s22], s20  }
0x9f: {  	s4 =	ssub.s32 $0x0, s20;
	[sflag:s22] =	ssyncset.done $0x0  }
0xa0: {  	[sflag:s22] =	ssyncadd.s32 s4;
	_ =	sdelay $0x1  }
0xa1: {  	s23 =	simm.s32 $0x1B8B  }
0xa2: {  	_ =	swait.ge [sflag:s23], $0x1  }
0xa3: {  	[sflag:s23] =	ssyncset.done $0x0  }
0xa4: {  	s25 =	simm.s32 $0x1B8E;
	s24 =	sld [smem:$0x3FFE];
	[sflag:s23] =	ssyncadd.s32 $0xFFFFFFFF  }
0xa5: {  	s26 =	simm.s32 $execute0_lowered;
	[smem:$0x3FD2] =	sst s25  }
0xa6: {  	s5 =	sshll.u32 s26, $0x1;
	_ =	strace $0x80000046;
	[dreg:$0x1] =	wrdreg $0xFFFFFFFF  }
0xa7: {  	s28 =	simm.s32 $_size_execute0_lowered;
	s3 =	sadd.s32 s3, s5;
	[dreg:$0x0] =	wrdreg $0x0  }
0xa8: {  	s5 =	sshll.u32 s28, $0x1;
	[dreg:$0x2] =	wrdreg s3  }
0xa9: {  	[dreg:$0x3] =	wrdreg s5  }
0xaa: {  	[dreg:$0x4] =	wrdreg $0xC0  }
0xab: {  	_ =	task [dreg:s7], $0x5FFFF  }
0xac: {  	[dreg:$0x1] =	wrdreg $0xFFFFFFFF  }
0xad: {  	[dreg:$0x0] =	wrdreg $0x60  }
0xae: {  	[dreg:$0x2] =	wrdreg s24  }
0xaf: {  	[dreg:$0x3] =	wrdreg s2  }
0xb0: {  	[dreg:$0x4] =	wrdreg $0x9  }
0xb1: {  	_ =	task.clear_ibuf [dreg:s7], $0x5FFFF;
	_ =	strace $0x90000046  }
0xb2: {  	s29 =	simm.s32 $0x9;
	_ =	strace $0x80000048  }
0xb3: {  	_ =	swait.ge [sflag:s29], $0x1  }
0xb4: {  	[sflag:s29] =	ssyncadd.s32 $0xFFFFFFFF  }
0xb5: {  	_ =	strace $0x90000048  }
0xb6: {  	_ =	sfence  }
0xb7: {  	s30 =	sld [smem:$0x0];
	_ =	sdelay $0x2  }
0xb8: {  	s31 =	sshll.u32 s1, $0xD;
	s1 =	sshrl.u32 s1, $0x2  }
0xb9: {  	s3 =	sand.u32 $0x4000, s31;
	s1 =	sadd.s32 s1, s30  }
0xba: {  	s0 =	sor.u32 s3, s0;
	s1 =	sshll.u32 s1, $0x11  }
0xbb: {  	s0 =	sor.u32 s1, s0  }
0xbc: {  	s0 =	sadd.s32 $0x8F2B, s0  }
0xbd: {  	[sflag:s0] =	ssyncadd.remote.s32 $0x1  }
0xbe: {  	_ =	sfence.sel $0xFFFF  }
0xbf: {  	[dreg:$0x0] =	wrdreg $0xFFFFFFFF;
	(pc) =	sbr.abs _section_cstart, $3  }
0xc0: {  	[dreg:$0x1] =	wrdreg $0xFFFFFFFF  }
0xc1: {  	_ =	task.clear_ibuf [dreg:s7], $0x2FFFF;
	_ =	strace $0x9FFFFFFF  }
0xc2: {  	(tm) =	ssettm $0x7FFFFFFF  }
0xc3: {  	_ =	shalt  }
tec
execute0_lowered:
.L_overlay_start_1:
0x0: {  	(tag) =	ssettag $0x1  }
0x1: {  	s1 =	srdreg.scid;
	s0 =	stileid.u32  }
0x2: {  	s10 =	rddreg [dreg:$0x0];
	s29 =	sand.u32 $0x1, s1;
	s31 =	sshll.u32 s0, $0x1  }
0x3: {  	s3 =	rddreg [dreg:$0x1];
	s14 =	sor.u32 s29, s31  }
0x4: {  	s2 =	simm.s32 $0x0;
	s1 =	rddreg [dreg:$0x2];
	s4 =	smul.u32 $0x320, s14  }
0x5: {  	[smem:$0x7FF] =	sst s2  }
0x6: {  	_ =	strace $0x80000047;
	s3 =	sadd.s32 s3, s4;
	s4 =	simm.s32 $0x5  }
0x7: {  	[tilespmem:s2], [sflag:$0x5] =	stream.linear.gather [hbm4b:s3+s2], $0x1900, $0x38;
	[tilespmem:$0x1A900] =	vst v63  }
0x8: {  	_ =	swait.ge [sflag:s4], $0x1900  }
0x9: {  	s6 =	simm.s32 $0x320;
	[sflag:s4] =	ssyncset.done $0x0  }
0xa: {  	s7 =	simm.s32 $0x1900;
	s5 =	sadd.s32 $0x1A00, s10;
	[sflag:s4] =	ssyncadd.s32 $0xFFFFE700  }
0xb: {  	[tilespmem:s7], [sflag:$0x1] =	stream.indirect.gather [hbm4b:s5+s6], $0x40, s2, s6, $0xb8;
	[tilespmem:$0x1A900] =	vst v63  }
0xc: {  	s8 =	simm.s32 $0xE100;
	s9 =	simm.s32 $0x1  }
0xd: {  	[tilespmem:s8], [sflag:$0x2] =	stream.indirect.gather [hbm4b:s5+s6], $0x40, s6, s6, $0xb8;
	[tilespmem:$0x1A900] =	vst v63  }
0xe: {  	s12 =	simm.s32 $0x80;
	s11 =	smul.u32 $0x19000, s14;
	_ =	swait.ge [sflag:s9], $0xC800  }
0xf: {  	s13 =	simm.s32 $0x3;
	s16 =	sadd.s32 $0x7200, s10;
	[sflag:s9] =	ssyncset.done $0x0  }
0x10: {  	s10 =	sadd.s32 s16, s11;
	s11 =	simm.s32 $0x40;
	[sflag:s9] =	ssyncadd.s32 $0xFFFF3800  }
0x11: {  	[hbm4b:s10+s11] =	stream.strided.scatter [tilespmem:s7], [sflag:$0x3], $0xC800, s12, s11, $0x38;
	[tilespmem:$0x1A900] =	vst v63  }
0x12: {  	_ =	swait.ge [sflag:s13], $0xC800  }
0x13: {  	s15 =	simm.s32 $0x2;
	[sflag:s13] =	ssyncset.done $0x0  }
0x14: {  	s17 =	smul.u32 $0xC8000, s14;
	s14 =	simm.s32 $0x640;
	[sflag:s13] =	ssyncadd.s32 $0xFFFF3800  }
0x15: {  	[tilespmem:s7], [sflag:$0x1] =	stream.indirect.gather [hbm4b:s5+s6], $0x40, s14, s6, $0xb8;
	[tilespmem:$0x1A900] =	vst v63  }
0x16: {  	s17 =	sshrl.u32 s17, $0x3;
	_ =	swait.ge [sflag:s15], $0xC800  }
0x17: {  	s30 =	sadd.s32 s16, s17;
	[sflag:s15] =	ssyncset.done $0x0  }
0x18: {  	s16 =	simm.s32 $0x4;
	s17 =	sadd.s32 $0x3200, s30;
	[sflag:s15] =	ssyncadd.s32 $0xFFFF3800  }
0x19: {  	[hbm4b:s17+s11] =	stream.strided.scatter [tilespmem:s8], [sflag:$0x4], $0xC800, s12, s11, $0x38;
	[tilespmem:$0x1A900] =	vst v63  }
0x1a: {  	_ =	swait.ge [sflag:s16], $0xC800  }
0x1b: {  	[sflag:s16] =	ssyncset.done $0x0  }
0x1c: {  	s18 =	simm.s32 $0x960;
	[sflag:s16] =	ssyncadd.s32 $0xFFFF3800  }
0x1d: {  	[tilespmem:s8], [sflag:$0x2] =	stream.indirect.gather [hbm4b:s5+s6], $0x40, s18, s6, $0xb8;
	[tilespmem:$0x1A900] =	vst v63  }
0x1e: {  	_ =	swait.ge [sflag:s9], $0xC800  }
0x1f: {  	[sflag:s9] =	ssyncset.done $0x0  }
0x20: {  	s19 =	sadd.s32 $0x6400, s30;
	[sflag:s9] =	ssyncadd.s32 $0xFFFF3800  }
0x21: {  	[hbm4b:s19+s11] =	stream.strided.scatter [tilespmem:s7], [sflag:$0x3], $0xC800, s12, s11, $0x38;
	[tilespmem:$0x1A900] =	vst v63  }
0x22: {  	_ =	swait.ge [sflag:s13], $0xC800  }
0x23: {  	[sflag:s13] =	ssyncset.done $0x0  }
0x24: {  	s20 =	simm.s32 $0xC80;
	[sflag:s13] =	ssyncadd.s32 $0xFFFF3800  }
0x25: {  	[tilespmem:s7], [sflag:$0x1] =	stream.indirect.gather [hbm4b:s5+s6], $0x40, s20, s6, $0xb8;
	[tilespmem:$0x1A900] =	vst v63  }
0x26: {  	_ =	swait.ge [sflag:s15], $0xC800  }
0x27: {  	[sflag:s15] =	ssyncset.done $0x0  }
0x28: {  	s21 =	sadd.s32 $0x9600, s30;
	[sflag:s15] =	ssyncadd.s32 $0xFFFF3800  }
0x29: {  	[hbm4b:s21+s11] =	stream.strided.scatter [tilespmem:s8], [sflag:$0x4], $0xC800, s12, s11, $0x38;
	[tilespmem:$0x1A900] =	vst v63  }
0x2a: {  	_ =	swait.ge [sflag:s16], $0xC800  }
0x2b: {  	[sflag:s16] =	ssyncset.done $0x0  }
0x2c: {  	s22 =	simm.s32 $0xFA0;
	[sflag:s16] =	ssyncadd.s32 $0xFFFF3800  }
0x2d: {  	[tilespmem:s8], [sflag:$0x2] =	stream.indirect.gather [hbm4b:s5+s6], $0x40, s22, s6, $0xb8;
	[tilespmem:$0x1A900] =	vst v63  }
0x2e: {  	_ =	swait.ge [sflag:s9], $0xC800  }
0x2f: {  	[sflag:s9] =	ssyncset.done $0x0  }
0x30: {  	s23 =	sadd.s32 $0xC800, s30;
	[sflag:s9] =	ssyncadd.s32 $0xFFFF3800  }
0x31: {  	[hbm4b:s23+s11] =	stream.strided.scatter [tilespmem:s7], [sflag:$0x3], $0xC800, s12, s11, $0x38;
	[tilespmem:$0x1A900] =	vst v63  }
0x32: {  	_ =	swait.ge [sflag:s13], $0xC800  }
0x33: {  	[sflag:s13] =	ssyncset.done $0x0  }
0x34: {  	s24 =	simm.s32 $0x12C0;
	[sflag:s13] =	ssyncadd.s32 $0xFFFF3800  }
0x35: {  	[tilespmem:s7], [sflag:$0x1] =	stream.indirect.gather [hbm4b:s5+s6], $0x40, s24, s6, $0xb8;
	[tilespmem:$0x1A900] =	vst v63  }
0x36: {  	_ =	swait.ge [sflag:s15], $0xC800  }
0x37: {  	[sflag:s15] =	ssyncset.done $0x0  }
0x38: {  	s25 =	sadd.s32 $0xFA00, s30;
	[sflag:s15] =	ssyncadd.s32 $0xFFFF3800  }
0x39: {  	[hbm4b:s25+s11] =	stream.strided.scatter [tilespmem:s8], [sflag:$0x4], $0xC800, s12, s11, $0x38;
	[tilespmem:$0x1A900] =	vst v63  }
0x3a: {  	_ =	swait.ge [sflag:s16], $0xC800  }
0x3b: {  	[sflag:s16] =	ssyncset.done $0x0  }
0x3c: {  	s26 =	simm.s32 $0x15E0;
	[sflag:s16] =	ssyncadd.s32 $0xFFFF3800  }
0x3d: {  	[tilespmem:s8], [sflag:$0x2] =	stream.indirect.gather [hbm4b:s5+s6], $0x40, s26, s6, $0xb8;
	[tilespmem:$0x1A900] =	vst v63  }
0x3e: {  	_ =	swait.ge [sflag:s9], $0xC800  }
0x3f: {  	s31 =	ssub.s32 $0x2, s29;
	s28 =	sadd.s32 $0x12C00, s30;
	[sflag:s9] =	ssyncset.done $0x0  }
0x40: {  	s29 =	sadd.s32 $0x15E00, s30;
	s30 =	sshrl.u32 s31, $0x1;
	[sflag:s9] =	ssyncadd.s32 $0xFFFF3800  }
0x41: {  	[hbm4b:s28+s11] =	stream.strided.scatter [tilespmem:s7], [sflag:$0x3], $0xC800, s12, s11, $0x38;
	[tilespmem:$0x1A900] =	vst v63  }
0x42: {  	s30 =	ssub.s32 s31, s30;
	_ =	swait.ge [sflag:s15], $0xC800  }
0x43: {  	s30 =	smax.u32 s30, $0x1;
	[sflag:s15] =	ssyncset.done $0x0  }
0x44: {  	p0 =	sne.s32 s30, $0x1;
	[sflag:s15] =	ssyncadd.s32 $0xFFFF3800  }
0x45: {  	[hbm4b:s29+s11] =	stream.strided.scatter [tilespmem:s8], [sflag:$0x4], $0xC800, s12, s11, $0x38;
	[tilespmem:$0x1A900] =	vst v63  }
.Ltmp0:
0x46: {  	_ =	swait.ge [sflag:s13], $0xC800;
	(pc) =	sbr.rel @!p0 .LBB2_2-.Ltmp0, $4  }
0x47: {  	[sflag:s13] =	ssyncset.done $0x0  }
0x48: {  	[sflag:s13] =	ssyncadd.s32 $0xFFFF3800  }
0x49: {  	_ =	swait.ge [sflag:s16], $0xC800  }
0x4a: {  	s30 =	sadd.s32 $0xFFFFFFFF, s30;
	[sflag:s16] =	ssyncset.done $0x0  }
.LBB2_1:
0x4b: {  	p0 =	sne.s32 s30, $0x1;
	s30 =	sadd.s32 $0xFFFFFFFF, s30;
	[sflag:s16] =	ssyncadd.s32 $0xFFFF3800  }
0x4c: {  	[tilespmem:s2], [sflag:$0x5] =	stream.linear.gather [hbm4b:s3+s2], $0x1900, $0x38;
	[tilespmem:$0x1A900] =	vst v63  }
0x4d: {  	_ =	swait.ge [sflag:s4], $0x1900  }
0x4e: {  	[sflag:s4] =	ssyncset.done $0x0  }
0x4f: {  	[sflag:s4] =	ssyncadd.s32 $0xFFFFE700  }
0x50: {  	[tilespmem:s7], [sflag:$0x1] =	stream.indirect.gather [hbm4b:s5+s6], $0x40, s2, s6, $0xb8;
	[tilespmem:$0x1A900] =	vst v63  }
0x51: {  	_ = 	snop  }
0x52: {  	[tilespmem:s8], [sflag:$0x2] =	stream.indirect.gather [hbm4b:s5+s6], $0x40, s6, s6, $0xb8;
	[tilespmem:$0x1A900] =	vst v63  }
0x53: {  	_ =	swait.ge [sflag:s9], $0xC800  }
0x54: {  	[sflag:s9] =	ssyncset.done $0x0  }
0x55: {  	[sflag:s9] =	ssyncadd.s32 $0xFFFF3800  }
0x56: {  	[hbm4b:s10+s11] =	stream.strided.scatter [tilespmem:s7], [sflag:$0x3], $0xC800, s12, s11, $0x38;
	[tilespmem:$0x1A900] =	vst v63  }
0x57: {  	_ =	swait.ge [sflag:s13], $0xC800  }
0x58: {  	[sflag:s13] =	ssyncset.done $0x0  }
0x59: {  	[sflag:s13] =	ssyncadd.s32 $0xFFFF3800  }
0x5a: {  	[tilespmem:s7], [sflag:$0x1] =	stream.indirect.gather [hbm4b:s5+s6], $0x40, s14, s6, $0xb8;
	[tilespmem:$0x1A900] =	vst v63  }
0x5b: {  	_ =	swait.ge [sflag:s15], $0xC800  }
0x5c: {  	[sflag:s15] =	ssyncset.done $0x0  }
0x5d: {  	[sflag:s15] =	ssyncadd.s32 $0xFFFF3800  }
0x5e: {  	[hbm4b:s17+s11] =	stream.strided.scatter [tilespmem:s8], [sflag:$0x4], $0xC800, s12, s11, $0x38;
	[tilespmem:$0x1A900] =	vst v63  }
0x5f: {  	_ =	swait.ge [sflag:s16], $0xC800  }
0x60: {  	[sflag:s16] =	ssyncset.done $0x0  }
0x61: {  	[sflag:s16] =	ssyncadd.s32 $0xFFFF3800  }
0x62: {  	[tilespmem:s8], [sflag:$0x2] =	stream.indirect.gather [hbm4b:s5+s6], $0x40, s18, s6, $0xb8;
	[tilespmem:$0x1A900] =	vst v63  }
0x63: {  	_ =	swait.ge [sflag:s9], $0xC800  }
0x64: {  	[sflag:s9] =	ssyncset.done $0x0  }
0x65: {  	[sflag:s9] =	ssyncadd.s32 $0xFFFF3800  }
0x66: {  	[hbm4b:s19+s11] =	stream.strided.scatter [tilespmem:s7], [sflag:$0x3], $0xC800, s12, s11, $0x38;
	[tilespmem:$0x1A900] =	vst v63  }
0x67: {  	_ =	swait.ge [sflag:s13], $0xC800  }
0x68: {  	[sflag:s13] =	ssyncset.done $0x0  }
0x69: {  	[sflag:s13] =	ssyncadd.s32 $0xFFFF3800  }
0x6a: {  	[tilespmem:s7], [sflag:$0x1] =	stream.indirect.gather [hbm4b:s5+s6], $0x40, s20, s6, $0xb8;
	[tilespmem:$0x1A900] =	vst v63  }
0x6b: {  	_ =	swait.ge [sflag:s15], $0xC800  }
0x6c: {  	[sflag:s15] =	ssyncset.done $0x0  }
0x6d: {  	[sflag:s15] =	ssyncadd.s32 $0xFFFF3800  }
0x6e: {  	[hbm4b:s21+s11] =	stream.strided.scatter [tilespmem:s8], [sflag:$0x4], $0xC800, s12, s11, $0x38;
	[tilespmem:$0x1A900] =	vst v63  }
0x6f: {  	_ =	swait.ge [sflag:s16], $0xC800  }
0x70: {  	[sflag:s16] =	ssyncset.done $0x0  }
0x71: {  	[sflag:s16] =	ssyncadd.s32 $0xFFFF3800  }
0x72: {  	[tilespmem:s8], [sflag:$0x2] =	stream.indirect.gather [hbm4b:s5+s6], $0x40, s22, s6, $0xb8;
	[tilespmem:$0x1A900] =	vst v63  }
0x73: {  	_ =	swait.ge [sflag:s9], $0xC800  }
0x74: {  	[sflag:s9] =	ssyncset.done $0x0  }
0x75: {  	[sflag:s9] =	ssyncadd.s32 $0xFFFF3800  }
0x76: {  	[hbm4b:s23+s11] =	stream.strided.scatter [tilespmem:s7], [sflag:$0x3], $0xC800, s12, s11, $0x38;
	[tilespmem:$0x1A900] =	vst v63  }
0x77: {  	_ =	swait.ge [sflag:s13], $0xC800  }
0x78: {  	[sflag:s13] =	ssyncset.done $0x0  }
0x79: {  	[sflag:s13] =	ssyncadd.s32 $0xFFFF3800  }
0x7a: {  	[tilespmem:s7], [sflag:$0x1] =	stream.indirect.gather [hbm4b:s5+s6], $0x40, s24, s6, $0xb8;
	[tilespmem:$0x1A900] =	vst v63  }
0x7b: {  	_ =	swait.ge [sflag:s15], $0xC800  }
0x7c: {  	[sflag:s15] =	ssyncset.done $0x0  }
0x7d: {  	[sflag:s15] =	ssyncadd.s32 $0xFFFF3800  }
0x7e: {  	[hbm4b:s25+s11] =	stream.strided.scatter [tilespmem:s8], [sflag:$0x4], $0xC800, s12, s11, $0x38;
	[tilespmem:$0x1A900] =	vst v63  }
0x7f: {  	_ =	swait.ge [sflag:s16], $0xC800  }
0x80: {  	[sflag:s16] =	ssyncset.done $0x0  }
0x81: {  	[sflag:s16] =	ssyncadd.s32 $0xFFFF3800  }
0x82: {  	[tilespmem:s8], [sflag:$0x2] =	stream.indirect.gather [hbm4b:s5+s6], $0x40, s26, s6, $0xb8;
	[tilespmem:$0x1A900] =	vst v63  }
0x83: {  	_ =	swait.ge [sflag:s9], $0xC800  }
0x84: {  	[sflag:s9] =	ssyncset.done $0x0  }
0x85: {  	[sflag:s9] =	ssyncadd.s32 $0xFFFF3800  }
0x86: {  	[hbm4b:s28+s11] =	stream.strided.scatter [tilespmem:s7], [sflag:$0x3], $0xC800, s12, s11, $0x38;
	[tilespmem:$0x1A900] =	vst v63  }
0x87: {  	_ =	swait.ge [sflag:s15], $0xC800  }
0x88: {  	[sflag:s15] =	ssyncset.done $0x0  }
0x89: {  	[sflag:s15] =	ssyncadd.s32 $0xFFFF3800  }
0x8a: {  	[hbm4b:s29+s11] =	stream.strided.scatter [tilespmem:s8], [sflag:$0x4], $0xC800, s12, s11, $0x38;
	[tilespmem:$0x1A900] =	vst v63  }
.Ltmp1:
0x8b: {  	_ =	swait.ge [sflag:s13], $0xC800;
	(pc) =	sbr.rel @p0 .LBB2_1-.Ltmp1, $4  }
0x8c: {  	[sflag:s13] =	ssyncset.done $0x0  }
0x8d: {  	[sflag:s13] =	ssyncadd.s32 $0xFFFF3800  }
0x8e: {  	_ =	swait.ge [sflag:s16], $0xC800  }
0x8f: {  	[sflag:s16] =	ssyncset.done $0x0  }
.LBB2_2:
0x90: {  	[sflag:s16] =	ssyncadd.s32 $0xFFFF3800  }
0x91: {  	_ =	sfence.sel $0x180000  }
0x92: {  	[bflag:$0x0] =	sbarrier.arrive $0xFFFF  }
0x93: {  	p0 =	sne.s32 s0, $0x0;
	_ =	strace $0x90000047  }
0x94: {  	s0 =	sadd.s32 @!p0 $0x100000, s1;
	[bflag:$0x2] =	sbarrier.arrive $0xFFFF  }
0x95: {  	[sflag:s0] =	ssyncadd.tile.s32 @!p0 $0x1;
	_ =	shalt  }
.Lfunc_end2:
_tile_overlayer_lowered:
.L_overlay_start_2:
0x96: {  	(tag) =	ssettag $0x2  }
0x97: {  	s0 =	rddreg [dreg:$0x0];
	s2 =	stileid.u32  }
0x98: {  	s1 =	rddreg [dreg:$0x1];
	p0 =	sne.s32 s2, $0x0  }
0x99: {  	s3 =	rddreg [dreg:$0x2];
	[bflag:$0x3] =	sbarrier.arrive $0xFFFF;
	s2 =	simm.s32 @!p0 $0x1C05  }
0x9a: {  	[timem:s3], [sflag:s2] =	dma.local @!p0 [hbm:s0], s1  }
0x9b: {  	s0 =	simm.s32 @!p0 $0x5  }
0x9c: {  	_ =	swait.ge @!p0 [sflag:s0], s1  }
0x9d: {  	s1 =	ssub.s32 @!p0 $0x0, s1;
	[sflag:s0] =	ssyncset.done @!p0 $0x0  }
0x9e: {  	[sflag:s0] =	ssyncadd.s32 @!p0 s1  }
0x9f: {  	[bflag:$0x3] =	sbarrier.arrive $0xFFFF  }
0xa0: {  	_ =	shalt  }

// kernel: sparse-core-data-format-call.cloned.1.call-start
scs
called_computation_lowered:
.L_overlay_start_0:
0x0: {  	s2 =	sld [smem:$0x3FD9]  }
0x1: {  	s3 =	sld [smem:$0x3FFE];
	_ =	sdelay $0x1  }
0x2: {  	s1 =	srdreg.scid  }
0x3: {  	s0 =	sand.u32 $0x1, s1  }
0x4: {  	s18 =	sshll.u32 s0, $0xA;
	s2 =	sadd.s32 s3, s2  }
0x5: {  	s2 =	sadd.s32 s2, s18  }
0x6: {  	[smem:$0x3FB8] =	sst s2  }
0x7: {  	_ = 	snop  }
0x8: {  	s2 =	sld [smem:$0x3FD0];
	(tm) =	ssettm $0x1  }
0x9: {  	s19 =	sld [smem:$0x3FFB];
	_ =	sdelay $0x3  }
0xa: {  	_ =	strace s19  }
0xb: {  	s3 =	sld [smem:$0x3FFC];
	_ =	sdelay $0x3  }
0xc: {  	_ =	strace s3  }
0xd: {  	s3 =	sld [smem:$0x3FFD];
	_ =	sdelay $0x3  }
0xe: {  	_ =	strace s3  }
0xf: {  	_ =	strace $0x8FFFFFFF  }
0x10: {  	s20 =	sld [smem:$0x3FDB];
	_ =	sdelay $0x1  }
0x11: {  	s4 =	simm.s32 $_scs_section_size  }
0x12: {  	s5 =	simm.s32 $_size__tile_overlayer_lowered;
	s6 =	simm.s32 $_tile_overlayer_lowered  }
0x13: {  	s23 =	simm.s32 $0x1BFF;
	s22 =	sshll.u32 s6, $0x1;
	s3 =	sadd.s32 s4, s20  }
0x14: {  	s7 =	simm.s32 $0x0;
	s21 =	sshll.u32 s5, $0x1;
	s5 =	sadd.s32 s22, s3  }
0x15: {  	[timem:s7], [sflag:s23] =	dma.local [hbm:s5], s21  }
0x16: {  	_ =	swait.ge [sflag:s23], s21  }
0x17: {  	s4 =	ssub.s32 $0x0, s21;
	[sflag:s23] =	ssyncset.done $0x0  }
0x18: {  	[sflag:s23] =	ssyncadd.s32 s4;
	_ =	sdelay $0x1  }
0x19: {  	s24 =	simm.s32 $0x1B8B  }
0x1a: {  	_ =	swait.ge [sflag:s24], $0x1  }
0x1b: {  	[sflag:s24] =	ssyncset.done $0x0  }
0x1c: {  	s26 =	simm.s32 $0x1B8E;
	s25 =	sld [smem:$0x3FFE];
	[sflag:s24] =	ssyncadd.s32 $0xFFFFFFFF  }
0x1d: {  	s27 =	simm.s32 $execute0_lowered;
	[smem:$0x3FD2] =	sst s26  }
0x1e: {  	s5 =	sshll.u32 s27, $0x1;
	_ =	strace $0x80000049;
	[dreg:$0x1] =	wrdreg $0xFFFFFFFF  }
0x1f: {  	s28 =	simm.s32 $_size_execute0_lowered;
	s3 =	sadd.s32 s3, s5;
	[dreg:$0x0] =	wrdreg $0x0  }
0x20: {  	s5 =	sshll.u32 s28, $0x1;
	[dreg:$0x2] =	wrdreg s3  }
0x21: {  	[dreg:$0x3] =	wrdreg s5  }
0x22: {  	[dreg:$0x4] =	wrdreg $0xC0  }
0x23: {  	_ =	task [dreg:s7], $0x5FFFF  }
0x24: {  	[dreg:$0x1] =	wrdreg $0xFFFFFFFF  }
0x25: {  	[dreg:$0x0] =	wrdreg $0x60  }
0x26: {  	[dreg:$0x2] =	wrdreg s25  }
0x27: {  	[dreg:$0x3] =	wrdreg s2  }
0x28: {  	[dreg:$0x4] =	wrdreg $0x9  }
0x29: {  	_ =	task.clear_ibuf [dreg:s7], $0x5FFFF;
	_ =	strace $0x90000049  }
0x2a: {  	s29 =	simm.s32 $0x9;
	_ =	strace $0x8000004B  }
0x2b: {  	_ =	swait.ge [sflag:s29], $0x1  }
0x2c: {  	[sflag:s29] =	ssyncadd.s32 $0xFFFFFFFF  }
0x2d: {  	_ =	strace $0x9000004B  }
0x2e: {  	_ =	sfence  }
0x2f: {  	s30 =	sld [smem:$0x0];
	_ =	sdelay $0x2  }
0x30: {  	s31 =	sshll.u32 s1, $0xD;
	s1 =	sshrl.u32 s1, $0x2  }
0x31: {  	s3 =	sand.u32 $0x4000, s31;
	s1 =	sadd.s32 s1, s30  }
0x32: {  	s0 =	sor.u32 s3, s0;
	s1 =	sshll.u32 s1, $0x11  }
0x33: {  	s0 =	sor.u32 s1, s0  }
0x34: {  	s0 =	sadd.s32 $0x8F2B, s0  }
0x35: {  	[sflag:s0] =	ssyncadd.remote.s32 $0x1  }
0x36: {  	_ =	sfence.sel $0xFFFF  }
0x37: {  	[dreg:$0x0] =	wrdreg $0xFFFFFFFF;
	(pc) =	sbr.abs _section_cstart, $3  }
0x38: {  	[dreg:$0x1] =	wrdreg $0xFFFFFFFF  }
0x39: {  	_ =	task.clear_ibuf [dreg:s7], $0x2FFFF;
	_ =	strace $0x9FFFFFFF  }
0x3a: {  	(tm) =	ssettm $0x7FFFFFFF  }
0x3b: {  	_ =	shalt  }
tec
execute0_lowered:
.L_overlay_start_1:
0x0: {  	(tag) =	ssettag $0x1  }
0x1: {  	s0 =	stileid.u32;
	s6 =	rddreg [dreg:$0x0]  }
0x2: {  	s2 =	rddreg [dreg:$0x1];
	s5 =	srdreg.scid  }
0x3: {  	s31 =	simm.s32 $0x2;
	s13 =	simm.s32 $0x0;
	s1 =	sshll.u32 s0, $0x7  }
0x4: {  	s14 =	simm.s32 $0x0;
	s12 =	simm.s32 $0x0;
	s3 =	sand.u32 $0x380, s1  }
0x5: {  	s5 =	sshll.u32 s5, $0x4;
	s6 =	sadd.s32 $0x7200, s6;
	s4 =	ssub.s32 $0x400, s3  }
0x6: {  	s1 =	rddreg [dreg:$0x2];
	_ =	strace $0x8000004A;
	s7 =	sand.u32 $0x380, s4  }
0x7: {  	s5 =	sand.u32 $0x10, s5;
	p0 =	sne.s32 s7, $0x0;
	s7 =	simm.s32 $0x1  }
.Ltmp0:
0x8: {  	s8 =	sshrl.u32 s4, $0xA;
	s7 =	simm.s32 @!p0 $0x0;
	(pc) =	sbr.rel .LBB1_1-.Ltmp0, $4  }
0x9: {  	s9 =	sor.u32 s0, s5;
	s4 =	simm.s32 $0x1;
	s30 =	sadd.s32 s7, s8  }
0xa: {  	s11 =	smov.u32 s3;
	[sflag:s4] =	ssyncpa.u1 $0x0;
	s5 =	smul.u32 $0x32, s30  }
0xb: {  	[sflag:s31] =	ssyncpa.u1 $0x0;
	p0 =	por $0x0, $0x0;
	s7 =	sshrl.u32 s9, $0x3  }
0xc: {  	s9 =	simm.s32 $0x2000;
	s10 =	smov.u32 s7;
	s8 =	sor.u32 $0x1, s5  }
.LBB1_4:
0xd: {  	s17 =	sand.u32 $0x1F80, s14;
	s13 =	sshll.u32 s13, $0xD  }
0xe: {  	[tilespmem:s16+$0x810 ss:$0x81] =	vst.msk $0xffff, v2;
	s18 =	sshrl.u32 s14, $0x3;
	s31 =	sand.u32 $0x7, s14;
	s17 =	sadd.s32 s2, s17  }
0xf: {  	[tilespmem:s16+$0x1020 ss:$0x81] =	vst.msk $0xffff, v0;
	s18 =	sand.u32 $0xF, s18;
	s14 =	sshll.u32 s31, $0x12;
	s13 =	sadd.s32 s13, s17  }
0x10: {  	[tilespmem:s16+$0x0 ss:$0x81] =	vst.msk $0xffff, v1;
	s14 =	sor.u32 $0x400, s14;
	s13 =	sadd.s32 s18, s13  }
0x11: {  	[hbm4b:s13+s14] =	stream.strided.scatter [tilespmem:s15], [sflag:$0x2], $0x2000, s9, s14, $0x20;
	[tilespmem:$0x8080] =	vst v63  }
.LBB1_5:
0x12: {  	s15 =	sadd.s32 $0x4, s10  }
0x13: {  	s13 =	sadd.s32 $0x400, s11;
	s17 =	smov.u32 s11;
	p2 =	sgt.s32 s15, $0xC7  }
0x14: {  	s17 =	smov.u32 @p2 s13  }
0x15: {  	s15 =	smov.u32 @p2 s7;
	p2 =	sgt.s32 s17, $0x3FF  }
0x16: {  	s17 =	smov.u32 @p2 s3;
	p2 =	sne.s32 s12, s8  }
.Ltmp1:
0x17: {  	p1 =	slt.u32 s12, $0x2;
	(pc) =	sbr.rel @!p2 .LBB1_6-.Ltmp1, $4  }
0x18: {  	s16 =	simm.s32 @!p1 $0x2  }
0x19: {  	s14 =	smov.u32 s11;
	p0 =	por !p0, !p0;
	_ =	swait.ge @!p1 [sflag:s16], $0x2000  }
0x1a: {  	s13 =	smov.u32 s10;
	[sflag:s16] =	ssyncset.done @!p1 $0x0;
	s10 =	smov.u32 s15  }
0x1b: {  	s12 =	sadd.s32 $0x1, s12;
	[sflag:s16] =	ssyncadd.s32 @!p1 $0xFFFFE000;
	s11 =	smov.u32 s17  }
.LBB1_1:
0x1c: {  	p1 =	sge.u32 s12, s5  }
0x1d: {  	s15 =	sand.u32 @!p1 $0x1FFFFFF, s10  }
0x1e: {  	s16 =	smulhi.u32 @!p1 $0x147AE15, s15;
	_ =	sdelay $0x1  }
0x1f: {  	s16 =	smul.u32 @!p1 $0xC8, s16  }
0x20: {  	s17 =	sxor.u32 @!p1 $0xFFFFFFFF, s12;
	s18 =	smul.u32 @!p1 $0xC80, s11  }
0x21: {  	s31 =	sadd.s32 $0xFFFFFFFF, s12;
	s17 =	sshll.u32 @!p1 s17, $0xD;
	s15 =	ssub.s32 @!p1 s15, s16  }
0x22: {  	s16 =	sand.u32 @!p1 $0x2000, s17;
	s17 =	sadd.s32 @!p1 s6, s18;
	s15 =	sshll.u32 @!p1 s15, $0x4  }
0x23: {  	s18 =	simm.s32 @!p1 $0x6400;
	s15 =	sadd.s32 @!p1 s15, s17;
	s17 =	simm.s32 @!p1 $0x40  }
0x24: {  	[tilespmem:s16], [sflag:$0x1] =	stream.strided.gather @!p1 [hbm4b:s15+s17], $0x2000, s18, s17, $0x38;
	[tilespmem:$0x8080] =	vst v63  }
0x25: {  	p1 =	sge.u32 s31, s5  }
.Ltmp2:
0x26: {  	_ = 	snop;
	(pc) =	sbr.rel @p1 .LBB1_5-.Ltmp2, $1  }
0x27: {  	_ =	sdelay $0x3  }
0x28: {  	s15 =	simm.s32 $0x1  }
0x29: {  	_ =	swait.ge [sflag:s4], $0x2000;
	s15 =	simm.s32 @!p0 $0x0  }
0x2a: {  	[sflag:s4] =	ssyncset.done $0x0;
	s16 =	sshll.u32 s15, $0xD  }
0x2b: {  	[sflag:s4] =	ssyncadd.s32 $0xFFFFE000;
	s19 =	sor.u32 $0x20, s16  }
0x2c: {  	s15 =	smul.u32 $0x8100, s15;
	v3 =	vld [tilespmem:s19+$0x10]  }
0x2d: {  	s30 =	sand.u32 $0x1, s12;
	v2 =	vld [tilespmem:s19+$0xFFFFFFF0]  }
0x2e: {  	s16 =	smul.u32 $0x8100, s30;
	s15 =	sshrl.u32 s15, $0x2;
	v0 =	vld [tilespmem:s19+$0x0]  }
0x2f: {  	v1 =	vld [tilespmem:s19+$0xFFFFFFE0];
	s17 =	sor.u32 $0x4000, s15  }
0x30: {  	s31 =	sshrl.u32 s16, $0x2;
	s16 =	sadd.s32 $0x0, s17  }
0x31: {  	s18 =	simm.s32 $0x4;
	s19 =	sadd.s32 $0x40, s19;
	s15 =	sor.u32 $0x4000, s31;
	[tilespmem:s16+$0x1830 ss:$0x81] =	vst.msk $0xffff, v3  }
.LBB1_3:
0x32: {  	v3 =	vld [tilespmem:s19+$0x10];
	p1 =	sne.s32 s18, $0x1FC;
	[tilespmem:s16+$0x810 ss:$0x81] =	vst.msk $0xffff, v2;
	s20 =	smov.u32 s18;
	s18 =	sadd.s32 $0x4, s18  }
.Ltmp3:
0x33: {  	v2 =	vld [tilespmem:s19+$0xFFFFFFF0];
	[tilespmem:s16+$0x1020 ss:$0x81] =	vst.msk $0xffff, v0;
	(pc) =	sbr.rel @p1 .LBB1_3-.Ltmp3, $4  }
0x34: {  	v0 =	vld [tilespmem:s19+$0x0];
	[tilespmem:s16+$0x0 ss:$0x81] =	vst.msk $0xffff, v1  }
0x35: {  	s16 =	sshra.s32 s20, $0x2;
	v1 =	vld [tilespmem:s19+$0xFFFFFFE0]  }
0x36: {  	s16 =	sadd.s32 s16, s17  }
0x37: {  	s19 =	sadd.s32 $0x40, s19;
	[tilespmem:s16+$0x1830 ss:$0x81] =	vst.msk $0xffff, v3  }
.Ltmp4:
0x38: {  	_ = 	snop;
	(pc) =	sbr.rel .LBB1_4-.Ltmp4, $1  }
0x39: {  	_ =	sdelay $0x3  }
.LBB1_6:
0x3a: {  	_ =	sfence.sel $0x180000  }
0x3b: {  	s2 =	simm.s32 $0x1;
	[bflag:$0x0] =	sbarrier.arrive $0xFFFF  }
0x3c: {  	s31 =	simm.s32 $0x2;
	[sflag:s2] =	ssyncpa.u1 $0x1  }
0x3d: {  	[sflag:s31] =	ssyncpa.u1 $0x1  }
0x3e: {  	p0 =	sne.s32 s0, $0x0;
	_ =	strace $0x9000004A  }
0x3f: {  	s0 =	sadd.s32 @!p0 $0x100000, s1;
	[bflag:$0x2] =	sbarrier.arrive $0xFFFF  }
0x40: {  	[sflag:s0] =	ssyncadd.tile.s32 @!p0 $0x1;
	_ =	shalt  }
.Lfunc_end1:
_tile_overlayer_lowered:
.L_overlay_start_2:
0x41: {  	(tag) =	ssettag $0x2  }
0x42: {  	s0 =	rddreg [dreg:$0x0];
	s2 =	stileid.u32  }
0x43: {  	s1 =	rddreg [dreg:$0x1];
	p0 =	sne.s32 s2, $0x0  }
0x44: {  	s3 =	rddreg [dreg:$0x2];
	[bflag:$0x3] =	sbarrier.arrive $0xFFFF;
	s2 =	simm.s32 @!p0 $0x1C01  }
0x45: {  	[timem:s3], [sflag:s2] =	dma.local @!p0 [hbm:s0], s1  }
0x46: {  	s0 =	simm.s32 @!p0 $0x1  }
0x47: {  	_ =	swait.ge @!p0 [sflag:s0], s1  }
0x48: {  	s1 =	ssub.s32 @!p0 $0x0, s1;
	[sflag:s0] =	ssyncset.done @!p0 $0x0  }
0x49: {  	[sflag:s0] =	ssyncadd.s32 @!p0 s1  }
0x4a: {  	[bflag:$0x3] =	sbarrier.arrive $0xFFFF  }
0x4b: {  	_ =	shalt  }

</sc_bundles>
